<compile_context>
chip_gen: v7x
topology: tpu7x:2x2x1
jax: 0.10.2.dev20260603
libtpu: 0.0.44.dev20260713+nightly
codegen_flags: <defaults>
</compile_context>

<pallas_src>
import functools

import jax
import jax.numpy as jnp
from jax import lax
from jax.experimental import pallas as pl
from jax.experimental.pallas import tpu as pltpu
from jax.experimental.pallas import tpu_sc as plsc

CODEBOOK = 8192
DIM = 256
BATCH = 32
SEQ = 2048
EPS = 1e-5
L = 16
NC = 2
NS = 16
NW = NC * NS
DPW = DIM // NW
VBLK = 4096


def _tc_scaled_transpose(usage2, emb):
  def body(u_ref, e_ref, o_ref):
    inv = 1.0 / jnp.maximum(u_ref[...], EPS)
    o_ref[...] = jnp.transpose(e_ref[...]) * inv

  return pl.pallas_call(
      body,
      grid=(CODEBOOK // VBLK,),
      in_specs=[
          pl.BlockSpec((1, VBLK), lambda i: (0, i)),
          pl.BlockSpec((VBLK, DIM), lambda i: (i, 0)),
      ],
      out_specs=pl.BlockSpec((DIM, VBLK), lambda i: (0, i)),
      out_shape=jax.ShapeDtypeStruct((DIM, CODEBOOK), jnp.float32),
  )(usage2, emb)


def _sc_decode(codes, embt):
  mesh = plsc.VectorSubcoreMesh(core_axis_name="c", subcore_axis_name="s")

  @functools.partial(
      pl.kernel,
      out_type=jax.ShapeDtypeStruct((BATCH, DIM, SEQ), jnp.float32),
      mesh=mesh,
      compiler_params=pltpu.CompilerParams(needs_layout_passes=False),
      scratch_types=[
          pltpu.VMEM((DPW, CODEBOOK), jnp.float32),
          pltpu.VMEM((2, SEQ), jnp.int32),
          pltpu.VMEM((2, DPW, SEQ), jnp.float32),
          pltpu.SemaphoreType.DMA,
          pltpu.SemaphoreType.DMA,
          pltpu.SemaphoreType.DMA,
          pltpu.SemaphoreType.DMA,
          pltpu.SemaphoreType.DMA,
      ],
  )
  def k(codes_hbm, embt_hbm, out_hbm, rows_v, idx_v, out_v,
        isem0, isem1, osem0, osem1, tsem):
    isems = (isem0, isem1)
    osems = (osem0, osem1)
    wid = lax.axis_index("s") * NC + lax.axis_index("c")
    dlo = pl.multiple_of(wid * DPW, DPW)

    table_cp = pltpu.make_async_copy(
        embt_hbm.at[pl.ds(dlo, DPW), :], rows_v, tsem)
    table_cp.start()

    pltpu.async_copy(codes_hbm.at[0, 0, :], idx_v.at[0], isems[0])
    table_cp.wait()

    def half(bb, h):
      ibuf = idx_v.at[h]
      obuf = out_v.at[h]
      pltpu.make_async_copy(
          codes_hbm.at[0, 0, :], ibuf, isems[h]).wait()

      @pl.when(bb + 1 < BATCH)
      def _():
        pltpu.async_copy(
            codes_hbm.at[bb + 1, 0, :], idx_v.at[1 - h], isems[1 - h])

      @pl.when(bb >= 2)
      def _():
        pltpu.make_async_copy(
            obuf, out_hbm.at[bb, pl.ds(dlo, DPW), :], osems[h]).wait()

      @plsc.parallel_loop(0, SEQ, step=L, unroll=2)
      def _(t):
        idx = idx_v[h, pl.ds(t, L)]
        for j in range(DPW):
          out_v[h, j, pl.ds(t, L)] = plsc.load_gather(
              rows_v, [jnp.full((L,), j, jnp.int32), idx])

      pltpu.async_copy(obuf, out_hbm.at[bb, pl.ds(dlo, DPW), :], osems[h])

    @pl.loop(0, BATCH, step=2)
    def _(b):
      half(b, 0)
      half(b + 1, 1)

    pltpu.make_async_copy(
        out_v.at[0], out_hbm.at[0, pl.ds(dlo, DPW), :], osems[0]).wait()
    pltpu.make_async_copy(
        out_v.at[1], out_hbm.at[0, pl.ds(dlo, DPW), :], osems[1]).wait()

  return k(codes, embt)


@jax.jit
def kernel(codes, cluster_usage, embedding_sum):
  usage2 = cluster_usage.reshape(1, CODEBOOK)
  embt = _tc_scaled_transpose(usage2, embedding_sum)
  return _sc_decode(codes, embt)

# --- scband reference (transcript-rebuilt; emitter-appended) ---
"""Pipeline reference for scband-semantic-codebook-18545668784922 (READ-ONLY COPY).

The authoritative reference and input builder live on the scoring server;
editing this copy changes nothing except your own understanding.
"""

import jax, jax.numpy as jnp
import numpy as np

CODEBOOK_SIZE = 8192
CODEBOOK_DIM = 256
BATCH = 32
SEQ = 2048
EPS = 1e-5


def setup_inputs(seed: int = 0) -> dict:
    key = jax.random.key(seed)
    k1, k2, k3 = jax.random.split(key, 3)
    codes = jax.random.randint(k1, (BATCH, 1, SEQ), 0, CODEBOOK_SIZE, dtype=jnp.int64 if jax.config.jax_enable_x64 else jnp.int32).astype(jnp.int32)
    # buffers from the module: cluster_usage (init ones) and embedding_sum (init zeros).
    # Use non-degenerate values so the lookup is meaningful (as after EMA training).
    cluster_usage = jax.random.uniform(k2, (CODEBOOK_SIZE,), dtype=jnp.float32) * 10.0 + 0.1
    embedding_sum = jax.random.normal(k3, (CODEBOOK_SIZE, CODEBOOK_DIM), dtype=jnp.float32)
    return {"codes": codes, "cluster_usage": cluster_usage, "embedding_sum": embedding_sum}


def reference(codes, cluster_usage, embedding_sum):
    # decode(codes): codes [b, 1, t] -> squeeze(1) -> [b, t]
    c = jnp.squeeze(codes, axis=1)
    # embedding property: embedding_sum / clamp(cluster_usage, min=eps)[:, None]
    embedding = embedding_sum / jnp.clip(cluster_usage, EPS, None)[:, None]
    # F.embedding(codes, embedding) -> gather rows: [b, t, d]
    quantized = jnp.take(embedding, c, axis=0)
    # rearrange 'b t d -> b d t'
    return jnp.transpose(quantized, (0, 2, 1))

if __name__ == "__main__":
    import jax
    _d = setup_inputs()
    print(jax.jit(kernel)(*tuple(_d.values())))

</pallas_src>

<mosaic_0001>
#map = affine_map<(d0, d1) -> (0, 0, 0)>
#map1 = affine_map<(d0, d1) -> (0, 0)>
module attributes {stable_mosaic.version = 14 : i64} {
  func.func @k(%arg0: i32, %arg1: i32, %arg2: memref<32x1x2048xi32, #tpu.memory_space<hbm>>, %arg3: memref<256x8192xf32, #tpu.memory_space<hbm>>, %arg4: memref<32x256x2048xf32, #tpu.memory_space<hbm>>, %arg5: memref<8x8192xf32, #tpu.memory_space<vmem>>, %arg6: memref<2x2048xi32, #tpu.memory_space<vmem>>, %arg7: memref<2x8x2048xf32, #tpu.memory_space<vmem>>, %arg8: memref<!tpu.dma_semaphore, #tpu.memory_space<semaphore_mem>>, %arg9: memref<!tpu.dma_semaphore, #tpu.memory_space<semaphore_mem>>, %arg10: memref<!tpu.dma_semaphore, #tpu.memory_space<semaphore_mem>>, %arg11: memref<!tpu.dma_semaphore, #tpu.memory_space<semaphore_mem>>, %arg12: memref<!tpu.dma_semaphore, #tpu.memory_space<semaphore_mem>>) attributes {dimension_semantics = [#tpu.dimension_semantics<core_parallel>, #tpu.dimension_semantics<subcore_parallel>], iteration_bounds = array<i64: 2, 16>, scalar_prefetch = 0 : i64, scratch_operands = 8 : i64, tpu.core_type = #tpu.core_type<sc_vector_subcore>, window_params = [{transform_indices = #map}, {transform_indices = #map1}, {transform_indices = #map}]} {
    %mul3A = arith.constant 2 : i32
    %mul3A_0 = arith.muli %arg1, %mul3A : i32
    %add3A = arith.addi %mul3A_0, %arg0 : i32
    %mul3A_1 = arith.constant 8 : i32
    %mul3A_2 = arith.muli %add3A, %mul3A_1 : i32
    %multiple_of3A = tpu.assume_multiple %mul3A_2, 8 : i32
    %dma_start3A = arith.constant 0 : i32
    %dma_start3A_3 = tpu.memref_slice %arg3[%multiple_of3A, %dma_start3A] : memref<256x8192xf32, #tpu.memory_space<hbm>> -> memref<8x8192xf32, #tpu.memory_space<hbm>>
    %dma_start3A_4 = arith.constant 0 : i32
    %dma_start3A_5 = tpu.memref_slice %arg3[%multiple_of3A, %dma_start3A_4] : memref<256x8192xf32, #tpu.memory_space<hbm>> -> memref<8x8192xf32, #tpu.memory_space<hbm>>
    tpu.enqueue_dma source(%dma_start3A_5 : memref<8x8192xf32, #tpu.memory_space<hbm>>) target(%arg5 : memref<8x8192xf32, #tpu.memory_space<vmem>>) target_semaphore(%arg12 : memref<!tpu.dma_semaphore, #tpu.memory_space<semaphore_mem>>)
    %dma_start3A_6 = arith.constant 0 : i32
    %dma_start3A_7 = arith.constant 0 : i32
    %dma_start3A_8 = arith.constant 0 : i32
    %dma_start3A_9 = arith.constant 0 : i32
    %dma_start3A_10 = tpu.memref_slice %arg6[%dma_start3A_8, %dma_start3A_9] : memref<2x2048xi32, #tpu.memory_space<vmem>> -> memref<1x2048xi32, #tpu.memory_space<vmem>>
    %dma_start3A_11 = tpu.memref_squeeze %dma_start3A_10 : memref<1x2048xi32, #tpu.memory_space<vmem>> -> memref<2048xi32, #tpu.memory_space<vmem>>
    %dma_start3A_12 = arith.constant 0 : i32
    %dma_start3A_13 = tpu.memref_slice %arg2[%dma_start3A_6, %dma_start3A_7, %dma_start3A_12] : memref<32x1x2048xi32, #tpu.memory_space<hbm>> -> memref<1x1x2048xi32, #tpu.memory_space<hbm>>
    %dma_start3A_14 = tpu.memref_squeeze %dma_start3A_13 : memref<1x1x2048xi32, #tpu.memory_space<hbm>> -> memref<2048xi32, #tpu.memory_space<hbm>>
    %dma_start3A_15 = arith.constant 0 : i32
    %dma_start3A_16 = tpu.memref_slice %arg6[%dma_start3A_8, %dma_start3A_15] : memref<2x2048xi32, #tpu.memory_space<vmem>> -> memref<1x2048xi32, #tpu.memory_space<vmem>>
    %dma_start3A_17 = tpu.memref_squeeze %dma_start3A_16 : memref<1x2048xi32, #tpu.memory_space<vmem>> -> memref<2048xi32, #tpu.memory_space<vmem>>
    %dma_start3A_18 = arith.constant 0 : i32
    %dma_start3A_19 = tpu.memref_slice %arg2[%dma_start3A_6, %dma_start3A_7, %dma_start3A_18] : memref<32x1x2048xi32, #tpu.memory_space<hbm>> -> memref<1x1x2048xi32, #tpu.memory_space<hbm>>
    %dma_start3A_20 = tpu.memref_squeeze %dma_start3A_19 : memref<1x1x2048xi32, #tpu.memory_space<hbm>> -> memref<2048xi32, #tpu.memory_space<hbm>>
    tpu.enqueue_dma source(%dma_start3A_20 : memref<2048xi32, #tpu.memory_space<hbm>>) target(%dma_start3A_17 : memref<2048xi32, #tpu.memory_space<vmem>>) target_semaphore(%arg8 : memref<!tpu.dma_semaphore, #tpu.memory_space<semaphore_mem>>)
    %dma_wait3A = arith.constant 0 : i32
    %dma_wait3A_21 = tpu.memref_slice %arg3[%multiple_of3A, %dma_wait3A] : memref<256x8192xf32, #tpu.memory_space<hbm>> -> memref<8x8192xf32, #tpu.memory_space<hbm>>
    %dma_wait3A_22 = arith.constant 0 : i32
    %dma_wait3A_23 = tpu.memref_slice %arg3[%multiple_of3A, %dma_wait3A_22] : memref<256x8192xf32, #tpu.memory_space<hbm>> -> memref<8x8192xf32, #tpu.memory_space<hbm>>
    tpu.wait_dma2 semaphore(%arg12 : memref<!tpu.dma_semaphore, #tpu.memory_space<semaphore_mem>>) src(%dma_wait3A_23 : memref<8x8192xf32, #tpu.memory_space<hbm>>) dst(%arg5 : memref<8x8192xf32, #tpu.memory_space<vmem>>)
    %scan3A = arith.constant 0 : i32
    %scan3A_24 = arith.constant 16 : i32
    %scan3A_25 = arith.addi %scan3A, %scan3A_24 : i32
    %scan3A_26 = arith.constant 1 : i32
    scf.for %scan3A_60 = %scan3A to %scan3A_25 step %scan3A_26  : i32 {
      %mul3A_61 = arith.constant 2 : i32
      %mul3A_62 = arith.muli %scan3A_60, %mul3A_61 : i32
      %add3A_63 = arith.constant 0 : i32
      %add3A_64 = arith.addi %add3A_63, %mul3A_62 : i32
      %dma_wait3A_65 = arith.constant 0 : i32
      %dma_wait3A_66 = arith.constant 0 : i32
      %dma_wait3A_67 = arith.constant 0 : i32
      %dma_wait3A_68 = arith.constant 0 : i32
      %dma_wait3A_69 = tpu.memref_slice %arg6[%dma_wait3A_67, %dma_wait3A_68] : memref<2x2048xi32, #tpu.memory_space<vmem>> -> memref<1x2048xi32, #tpu.memory_space<vmem>>
      %dma_wait3A_70 = tpu.memref_squeeze %dma_wait3A_69 : memref<1x2048xi32, #tpu.memory_space<vmem>> -> memref<2048xi32, #tpu.memory_space<vmem>>
      %dma_wait3A_71 = arith.constant 0 : i32
      %dma_wait3A_72 = tpu.memref_slice %arg2[%dma_wait3A_65, %dma_wait3A_66, %dma_wait3A_71] : memref<32x1x2048xi32, #tpu.memory_space<hbm>> -> memref<1x1x2048xi32, #tpu.memory_space<hbm>>
      %dma_wait3A_73 = tpu.memref_squeeze %dma_wait3A_72 : memref<1x1x2048xi32, #tpu.memory_space<hbm>> -> memref<2048xi32, #tpu.memory_space<hbm>>
      %dma_wait3A_74 = arith.constant 0 : i32
      %dma_wait3A_75 = tpu.memref_slice %arg6[%dma_wait3A_67, %dma_wait3A_74] : memref<2x2048xi32, #tpu.memory_space<vmem>> -> memref<1x2048xi32, #tpu.memory_space<vmem>>
      %dma_wait3A_76 = tpu.memref_squeeze %dma_wait3A_75 : memref<1x2048xi32, #tpu.memory_space<vmem>> -> memref<2048xi32, #tpu.memory_space<vmem>>
      %dma_wait3A_77 = arith.constant 0 : i32
      %dma_wait3A_78 = tpu.memref_slice %arg2[%dma_wait3A_65, %dma_wait3A_66, %dma_wait3A_77] : memref<32x1x2048xi32, #tpu.memory_space<hbm>> -> memref<1x1x2048xi32, #tpu.memory_space<hbm>>
      %dma_wait3A_79 = tpu.memref_squeeze %dma_wait3A_78 : memref<1x1x2048xi32, #tpu.memory_space<hbm>> -> memref<2048xi32, #tpu.memory_space<hbm>>
      tpu.wait_dma2 semaphore(%arg8 : memref<!tpu.dma_semaphore, #tpu.memory_space<semaphore_mem>>) src(%dma_wait3A_79 : memref<2048xi32, #tpu.memory_space<hbm>>) dst(%dma_wait3A_76 : memref<2048xi32, #tpu.memory_space<vmem>>)
      %add3A_80 = arith.constant 1 : i32
      %add3A_81 = arith.addi %add3A_64, %add3A_80 : i32
      %lt3A = arith.constant 32 : i32
      %lt3A_82 = arith.cmpi slt, %add3A_81, %lt3A : i32
      %convert_element_type3A = arith.extui %lt3A_82 : i1 to i32
      %cond3A = arith.constant 0 : i32
      %cond3A_83 = arith.cmpi ne, %convert_element_type3A, %cond3A : i32
      scf.if %cond3A_83 {
        %add3A_154 = arith.constant 1 : i32
        %add3A_155 = arith.addi %add3A_64, %add3A_154 : i32
        %dma_start3A_156 = arith.constant 0 : i32
        %dma_start3A_157 = arith.constant 1 : i32
        %dma_start3A_158 = arith.constant 0 : i32
        %dma_start3A_159 = tpu.memref_slice %arg6[%dma_start3A_157, %dma_start3A_158] : memref<2x2048xi32, #tpu.memory_space<vmem>> -> memref<1x2048xi32, #tpu.memory_space<vmem>>
        %dma_start3A_160 = tpu.memref_squeeze %dma_start3A_159 : memref<1x2048xi32, #tpu.memory_space<vmem>> -> memref<2048xi32, #tpu.memory_space<vmem>>
        %dma_start3A_161 = arith.constant 0 : i32
        %dma_start3A_162 = tpu.memref_slice %arg2[%add3A_155, %dma_start3A_156, %dma_start3A_161] : memref<32x1x2048xi32, #tpu.memory_space<hbm>> -> memref<1x1x2048xi32, #tpu.memory_space<hbm>>
        %dma_start3A_163 = tpu.memref_squeeze %dma_start3A_162 : memref<1x1x2048xi32, #tpu.memory_space<hbm>> -> memref<2048xi32, #tpu.memory_space<hbm>>
        %dma_start3A_164 = arith.constant 0 : i32
        %dma_start3A_165 = tpu.memref_slice %arg6[%dma_start3A_157, %dma_start3A_164] : memref<2x2048xi32, #tpu.memory_space<vmem>> -> memref<1x2048xi32, #tpu.memory_space<vmem>>
        %dma_start3A_166 = tpu.memref_squeeze %dma_start3A_165 : memref<1x2048xi32, #tpu.memory_space<vmem>> -> memref<2048xi32, #tpu.memory_space<vmem>>
        %dma_start3A_167 = arith.constant 0 : i32
        %dma_start3A_168 = tpu.memref_slice %arg2[%add3A_155, %dma_start3A_156, %dma_start3A_167] : memref<32x1x2048xi32, #tpu.memory_space<hbm>> -> memref<1x1x2048xi32, #tpu.memory_space<hbm>>
        %dma_start3A_169 = tpu.memref_squeeze %dma_start3A_168 : memref<1x1x2048xi32, #tpu.memory_space<hbm>> -> memref<2048xi32, #tpu.memory_space<hbm>>
        tpu.enqueue_dma source(%dma_start3A_169 : memref<2048xi32, #tpu.memory_space<hbm>>) target(%dma_start3A_166 : memref<2048xi32, #tpu.memory_space<vmem>>) target_semaphore(%arg9 : memref<!tpu.dma_semaphore, #tpu.memory_space<semaphore_mem>>)
      } else {
      }
      %ge3A = arith.constant 2 : i32
      %ge3A_84 = arith.cmpi sge, %add3A_64, %ge3A : i32
      %convert_element_type3A_85 = arith.extui %ge3A_84 : i1 to i32
      %cond3A_86 = arith.constant 0 : i32
      %cond3A_87 = arith.constant 0 : i32
      %cond3A_88 = arith.cmpi ne, %convert_element_type3A_85, %cond3A_87 : i32
      scf.if %cond3A_88 {
        %dma_wait3A_154 = arith.constant 0 : i32
        %dma_wait3A_155 = arith.constant 0 : i32
        %dma_wait3A_156 = tpu.memref_slice %arg7[%cond3A_86, %dma_wait3A_154, %dma_wait3A_155] : memref<2x8x2048xf32, #tpu.memory_space<vmem>> -> memref<1x8x2048xf32, #tpu.memory_space<vmem>>
        %dma_wait3A_157 = tpu.memref_squeeze %dma_wait3A_156 : memref<1x8x2048xf32, #tpu.memory_space<vmem>> -> memref<8x2048xf32, #tpu.memory_space<vmem>>
        %dma_wait3A_158 = arith.constant 0 : i32
        %dma_wait3A_159 = tpu.memref_slice %arg4[%add3A_64, %multiple_of3A, %dma_wait3A_158] : memref<32x256x2048xf32, #tpu.memory_space<hbm>> -> memref<1x8x2048xf32, #tpu.memory_space<hbm>>
        %dma_wait3A_160 = tpu.memref_squeeze %dma_wait3A_159 : memref<1x8x2048xf32, #tpu.memory_space<hbm>> -> memref<8x2048xf32, #tpu.memory_space<hbm>>
        %dma_wait3A_161 = arith.constant 0 : i32
        %dma_wait3A_162 = tpu.memref_slice %arg4[%add3A_64, %multiple_of3A, %dma_wait3A_161] : memref<32x256x2048xf32, #tpu.memory_space<hbm>> -> memref<1x8x2048xf32, #tpu.memory_space<hbm>>
        %dma_wait3A_163 = tpu.memref_squeeze %dma_wait3A_162 : memref<1x8x2048xf32, #tpu.memory_space<hbm>> -> memref<8x2048xf32, #tpu.memory_space<hbm>>
        %dma_wait3A_164 = arith.constant 0 : i32
        %dma_wait3A_165 = arith.constant 0 : i32
        %dma_wait3A_166 = tpu.memref_slice %arg7[%cond3A_86, %dma_wait3A_164, %dma_wait3A_165] : memref<2x8x2048xf32, #tpu.memory_space<vmem>> -> memref<1x8x2048xf32, #tpu.memory_space<vmem>>
        %dma_wait3A_167 = tpu.memref_squeeze %dma_wait3A_166 : memref<1x8x2048xf32, #tpu.memory_space<vmem>> -> memref<8x2048xf32, #tpu.memory_space<vmem>>
        tpu.wait_dma2 semaphore(%arg10 : memref<!tpu.dma_semaphore, #tpu.memory_space<semaphore_mem>>) src(%dma_wait3A_167 : memref<8x2048xf32, #tpu.memory_space<vmem>>) dst(%dma_wait3A_163 : memref<8x2048xf32, #tpu.memory_space<hbm>>)
      } else {
      }
      %parallel_loop3A = arith.constant 0 : i32
      %parallel_loop3A_89 = arith.constant 2048 : i32
      %parallel_loop3A_90 = arith.constant 16 : i32
      scf.for %parallel_loop3A_154 = %parallel_loop3A to %parallel_loop3A_89 step %parallel_loop3A_90  : i32 {
        %parallel_loop3A_155 = arith.constant 0 : i32
        %parallel_loop3A_156 = arith.index_cast %parallel_loop3A_155 : i32 to index
        %parallel_loop3A_157 = arith.index_cast %parallel_loop3A_154 : i32 to index
        %parallel_loop3A_158 = tpu.vector_load %arg6[%parallel_loop3A_156, %parallel_loop3A_157] {strides = array<i32>} : memref<2x2048xi32, #tpu.memory_space<vmem>>, vector<16xi32>,
        %parallel_loop3A_159 = arith.constant 0 : i32
        %parallel_loop3A_160 = vector.broadcast %parallel_loop3A_159 : i32 to vector<16xi32>
        %parallel_loop3A_161 = tpu.vector_load_idx %arg5[%parallel_loop3A_160, %parallel_loop3A_158] : memref<8x8192xf32, #tpu.memory_space<vmem>>[vector<16xi32>, vector<16xi32>], vector<16xf32>,
        %parallel_loop3A_162 = arith.constant 0 : i32
        %parallel_loop3A_163 = arith.constant 0 : i32
        %parallel_loop3A_164 = arith.index_cast %parallel_loop3A_162 : i32 to index
        %parallel_loop3A_165 = arith.index_cast %parallel_loop3A_163 : i32 to index
        %parallel_loop3A_166 = arith.index_cast %parallel_loop3A_154 : i32 to index
        %parallel_loop3A_167 = tpu.vector_load %arg7[%parallel_loop3A_164, %parallel_loop3A_165, %parallel_loop3A_166] {strides = array<i32>} : memref<2x8x2048xf32, #tpu.memory_space<vmem>>, vector<16xf32>,
        tpu.vector_store %arg7[%parallel_loop3A_164, %parallel_loop3A_165, %parallel_loop3A_166], %parallel_loop3A_161 {strides = array<i32>} : memref<2x8x2048xf32, #tpu.memory_space<vmem>>, vector<16xf32>,
        %parallel_loop3A_168 = arith.constant 1 : i32
        %parallel_loop3A_169 = vector.broadcast %parallel_loop3A_168 : i32 to vector<16xi32>
        %parallel_loop3A_170 = tpu.vector_load_idx %arg5[%parallel_loop3A_169, %parallel_loop3A_158] : memref<8x8192xf32, #tpu.memory_space<vmem>>[vector<16xi32>, vector<16xi32>], vector<16xf32>,
        %parallel_loop3A_171 = arith.constant 0 : i32
        %parallel_loop3A_172 = arith.constant 1 : i32
        %parallel_loop3A_173 = arith.index_cast %parallel_loop3A_171 : i32 to index
        %parallel_loop3A_174 = arith.index_cast %parallel_loop3A_172 : i32 to index
        %parallel_loop3A_175 = arith.index_cast %parallel_loop3A_154 : i32 to index
        %parallel_loop3A_176 = tpu.vector_load %arg7[%parallel_loop3A_173, %parallel_loop3A_174, %parallel_loop3A_175] {strides = array<i32>} : memref<2x8x2048xf32, #tpu.memory_space<vmem>>, vector<16xf32>,
        tpu.vector_store %arg7[%parallel_loop3A_173, %parallel_loop3A_174, %parallel_loop3A_175], %parallel_loop3A_170 {strides = array<i32>} : memref<2x8x2048xf32, #tpu.memory_space<vmem>>, vector<16xf32>,
        %parallel_loop3A_177 = arith.constant 2 : i32
        %parallel_loop3A_178 = vector.broadcast %parallel_loop3A_177 : i32 to vector<16xi32>
        %parallel_loop3A_179 = tpu.vector_load_idx %arg5[%parallel_loop3A_178, %parallel_loop3A_158] : memref<8x8192xf32, #tpu.memory_space<vmem>>[vector<16xi32>, vector<16xi32>], vector<16xf32>,
        %parallel_loop3A_180 = arith.constant 0 : i32
        %parallel_loop3A_181 = arith.constant 2 : i32
        %parallel_loop3A_182 = arith.index_cast %parallel_loop3A_180 : i32 to index
        %parallel_loop3A_183 = arith.index_cast %parallel_loop3A_181 : i32 to index
        %parallel_loop3A_184 = arith.index_cast %parallel_loop3A_154 : i32 to index
        %parallel_loop3A_185 = tpu.vector_load %arg7[%parallel_loop3A_182, %parallel_loop3A_183, %parallel_loop3A_184] {strides = array<i32>} : memref<2x8x2048xf32, #tpu.memory_space<vmem>>, vector<16xf32>,
        tpu.vector_store %arg7[%parallel_loop3A_182, %parallel_loop3A_183, %parallel_loop3A_184], %parallel_loop3A_179 {strides = array<i32>} : memref<2x8x2048xf32, #tpu.memory_space<vmem>>, vector<16xf32>,
        %parallel_loop3A_186 = arith.constant 3 : i32
        %parallel_loop3A_187 = vector.broadcast %parallel_loop3A_186 : i32 to vector<16xi32>
        %parallel_loop3A_188 = tpu.vector_load_idx %arg5[%parallel_loop3A_187, %parallel_loop3A_158] : memref<8x8192xf32, #tpu.memory_space<vmem>>[vector<16xi32>, vector<16xi32>], vector<16xf32>,
        %parallel_loop3A_189 = arith.constant 0 : i32
        %parallel_loop3A_190 = arith.constant 3 : i32
        %parallel_loop3A_191 = arith.index_cast %parallel_loop3A_189 : i32 to index
        %parallel_loop3A_192 = arith.index_cast %parallel_loop3A_190 : i32 to index
        %parallel_loop3A_193 = arith.index_cast %parallel_loop3A_154 : i32 to index
        %parallel_loop3A_194 = tpu.vector_load %arg7[%parallel_loop3A_191, %parallel_loop3A_192, %parallel_loop3A_193] {strides = array<i32>} : memref<2x8x2048xf32, #tpu.memory_space<vmem>>, vector<16xf32>,
        tpu.vector_store %arg7[%parallel_loop3A_191, %parallel_loop3A_192, %parallel_loop3A_193], %parallel_loop3A_188 {strides = array<i32>} : memref<2x8x2048xf32, #tpu.memory_space<vmem>>, vector<16xf32>,
        %parallel_loop3A_195 = arith.constant 4 : i32
        %parallel_loop3A_196 = vector.broadcast %parallel_loop3A_195 : i32 to vector<16xi32>
        %parallel_loop3A_197 = tpu.vector_load_idx %arg5[%parallel_loop3A_196, %parallel_loop3A_158] : memref<8x8192xf32, #tpu.memory_space<vmem>>[vector<16xi32>, vector<16xi32>], vector<16xf32>,
        %parallel_loop3A_198 = arith.constant 0 : i32
        %parallel_loop3A_199 = arith.constant 4 : i32
        %parallel_loop3A_200 = arith.index_cast %parallel_loop3A_198 : i32 to index
        %parallel_loop3A_201 = arith.index_cast %parallel_loop3A_199 : i32 to index
        %parallel_loop3A_202 = arith.index_cast %parallel_loop3A_154 : i32 to index
        %parallel_loop3A_203 = tpu.vector_load %arg7[%parallel_loop3A_200, %parallel_loop3A_201, %parallel_loop3A_202] {strides = array<i32>} : memref<2x8x2048xf32, #tpu.memory_space<vmem>>, vector<16xf32>,
        tpu.vector_store %arg7[%parallel_loop3A_200, %parallel_loop3A_201, %parallel_loop3A_202], %parallel_loop3A_197 {strides = array<i32>} : memref<2x8x2048xf32, #tpu.memory_space<vmem>>, vector<16xf32>,
        %parallel_loop3A_204 = arith.constant 5 : i32
        %parallel_loop3A_205 = vector.broadcast %parallel_loop3A_204 : i32 to vector<16xi32>
        %parallel_loop3A_206 = tpu.vector_load_idx %arg5[%parallel_loop3A_205, %parallel_loop3A_158] : memref<8x8192xf32, #tpu.memory_space<vmem>>[vector<16xi32>, vector<16xi32>], vector<16xf32>,
        %parallel_loop3A_207 = arith.constant 0 : i32
        %parallel_loop3A_208 = arith.constant 5 : i32
        %parallel_loop3A_209 = arith.index_cast %parallel_loop3A_207 : i32 to index
        %parallel_loop3A_210 = arith.index_cast %parallel_loop3A_208 : i32 to index
        %parallel_loop3A_211 = arith.index_cast %parallel_loop3A_154 : i32 to index
        %parallel_loop3A_212 = tpu.vector_load %arg7[%parallel_loop3A_209, %parallel_loop3A_210, %parallel_loop3A_211] {strides = array<i32>} : memref<2x8x2048xf32, #tpu.memory_space<vmem>>, vector<16xf32>,
        tpu.vector_store %arg7[%parallel_loop3A_209, %parallel_loop3A_210, %parallel_loop3A_211], %parallel_loop3A_206 {strides = array<i32>} : memref<2x8x2048xf32, #tpu.memory_space<vmem>>, vector<16xf32>,
        %parallel_loop3A_213 = arith.constant 6 : i32
        %parallel_loop3A_214 = vector.broadcast %parallel_loop3A_213 : i32 to vector<16xi32>
        %parallel_loop3A_215 = tpu.vector_load_idx %arg5[%parallel_loop3A_214, %parallel_loop3A_158] : memref<8x8192xf32, #tpu.memory_space<vmem>>[vector<16xi32>, vector<16xi32>], vector<16xf32>,
        %parallel_loop3A_216 = arith.constant 0 : i32
        %parallel_loop3A_217 = arith.constant 6 : i32
        %parallel_loop3A_218 = arith.index_cast %parallel_loop3A_216 : i32 to index
        %parallel_loop3A_219 = arith.index_cast %parallel_loop3A_217 : i32 to index
        %parallel_loop3A_220 = arith.index_cast %parallel_loop3A_154 : i32 to index
        %parallel_loop3A_221 = tpu.vector_load %arg7[%parallel_loop3A_218, %parallel_loop3A_219, %parallel_loop3A_220] {strides = array<i32>} : memref<2x8x2048xf32, #tpu.memory_space<vmem>>, vector<16xf32>,
        tpu.vector_store %arg7[%parallel_loop3A_218, %parallel_loop3A_219, %parallel_loop3A_220], %parallel_loop3A_215 {strides = array<i32>} : memref<2x8x2048xf32, #tpu.memory_space<vmem>>, vector<16xf32>,
        %parallel_loop3A_222 = arith.constant 7 : i32
        %parallel_loop3A_223 = vector.broadcast %parallel_loop3A_222 : i32 to vector<16xi32>
        %parallel_loop3A_224 = tpu.vector_load_idx %arg5[%parallel_loop3A_223, %parallel_loop3A_158] : memref<8x8192xf32, #tpu.memory_space<vmem>>[vector<16xi32>, vector<16xi32>], vector<16xf32>,
        %parallel_loop3A_225 = arith.constant 0 : i32
        %parallel_loop3A_226 = arith.constant 7 : i32
        %parallel_loop3A_227 = arith.index_cast %parallel_loop3A_225 : i32 to index
        %parallel_loop3A_228 = arith.index_cast %parallel_loop3A_226 : i32 to index
        %parallel_loop3A_229 = arith.index_cast %parallel_loop3A_154 : i32 to index
        %parallel_loop3A_230 = tpu.vector_load %arg7[%parallel_loop3A_227, %parallel_loop3A_228, %parallel_loop3A_229] {strides = array<i32>} : memref<2x8x2048xf32, #tpu.memory_space<vmem>>, vector<16xf32>,
        tpu.vector_store %arg7[%parallel_loop3A_227, %parallel_loop3A_228, %parallel_loop3A_229], %parallel_loop3A_224 {strides = array<i32>} : memref<2x8x2048xf32, #tpu.memory_space<vmem>>, vector<16xf32>,
      } {sc.loop_unroll_factor = 2 : i64, sc.parallel_access}
      %dma_start3A_91 = arith.constant 0 : i32
      %dma_start3A_92 = arith.constant 0 : i32
      %dma_start3A_93 = arith.constant 0 : i32
      %dma_start3A_94 = tpu.memref_slice %arg7[%dma_start3A_91, %dma_start3A_92, %dma_start3A_93] : memref<2x8x2048xf32, #tpu.memory_space<vmem>> -> memref<1x8x2048xf32, #tpu.memory_space<vmem>>
      %dma_start3A_95 = tpu.memref_squeeze %dma_start3A_94 : memref<1x8x2048xf32, #tpu.memory_space<vmem>> -> memref<8x2048xf32, #tpu.memory_space<vmem>>
      %dma_start3A_96 = arith.constant 0 : i32
      %dma_start3A_97 = tpu.memref_slice %arg4[%add3A_64, %multiple_of3A, %dma_start3A_96] : memref<32x256x2048xf32, #tpu.memory_space<hbm>> -> memref<1x8x2048xf32, #tpu.memory_space<hbm>>
      %dma_start3A_98 = tpu.memref_squeeze %dma_start3A_97 : memref<1x8x2048xf32, #tpu.memory_space<hbm>> -> memref<8x2048xf32, #tpu.memory_space<hbm>>
      %dma_start3A_99 = arith.constant 0 : i32
      %dma_start3A_100 = tpu.memref_slice %arg4[%add3A_64, %multiple_of3A, %dma_start3A_99] : memref<32x256x2048xf32, #tpu.memory_space<hbm>> -> memref<1x8x2048xf32, #tpu.memory_space<hbm>>
      %dma_start3A_101 = tpu.memref_squeeze %dma_start3A_100 : memref<1x8x2048xf32, #tpu.memory_space<hbm>> -> memref<8x2048xf32, #tpu.memory_space<hbm>>
      %dma_start3A_102 = arith.constant 0 : i32
      %dma_start3A_103 = arith.constant 0 : i32
      %dma_start3A_104 = tpu.memref_slice %arg7[%dma_start3A_91, %dma_start3A_102, %dma_start3A_103] : memref<2x8x2048xf32, #tpu.memory_space<vmem>> -> memref<1x8x2048xf32, #tpu.memory_space<vmem>>
      %dma_start3A_105 = tpu.memref_squeeze %dma_start3A_104 : memref<1x8x2048xf32, #tpu.memory_space<vmem>> -> memref<8x2048xf32, #tpu.memory_space<vmem>>
      tpu.enqueue_dma source(%dma_start3A_105 : memref<8x2048xf32, #tpu.memory_space<vmem>>) target(%dma_start3A_101 : memref<8x2048xf32, #tpu.memory_space<hbm>>) target_semaphore(%arg10 : memref<!tpu.dma_semaphore, #tpu.memory_space<semaphore_mem>>)
      %add3A_106 = arith.constant 1 : i32
      %add3A_107 = arith.addi %add3A_64, %add3A_106 : i32
      %dma_wait3A_108 = arith.constant 0 : i32
      %dma_wait3A_109 = arith.constant 0 : i32
      %dma_wait3A_110 = arith.constant 1 : i32
      %dma_wait3A_111 = arith.constant 0 : i32
      %dma_wait3A_112 = tpu.memref_slice %arg6[%dma_wait3A_110, %dma_wait3A_111] : memref<2x2048xi32, #tpu.memory_space<vmem>> -> memref<1x2048xi32, #tpu.memory_space<vmem>>
      %dma_wait3A_113 = tpu.memref_squeeze %dma_wait3A_112 : memref<1x2048xi32, #tpu.memory_space<vmem>> -> memref<2048xi32, #tpu.memory_space<vmem>>
      %dma_wait3A_114 = arith.constant 0 : i32
      %dma_wait3A_115 = tpu.memref_slice %arg2[%dma_wait3A_108, %dma_wait3A_109, %dma_wait3A_114] : memref<32x1x2048xi32, #tpu.memory_space<hbm>> -> memref<1x1x2048xi32, #tpu.memory_space<hbm>>
      %dma_wait3A_116 = tpu.memref_squeeze %dma_wait3A_115 : memref<1x1x2048xi32, #tpu.memory_space<hbm>> -> memref<2048xi32, #tpu.memory_space<hbm>>
      %dma_wait3A_117 = arith.constant 0 : i32
      %dma_wait3A_118 = tpu.memref_slice %arg6[%dma_wait3A_110, %dma_wait3A_117] : memref<2x2048xi32, #tpu.memory_space<vmem>> -> memref<1x2048xi32, #tpu.memory_space<vmem>>
      %dma_wait3A_119 = tpu.memref_squeeze %dma_wait3A_118 : memref<1x2048xi32, #tpu.memory_space<vmem>> -> memref<2048xi32, #tpu.memory_space<vmem>>
      %dma_wait3A_120 = arith.constant 0 : i32
      %dma_wait3A_121 = tpu.memref_slice %arg2[%dma_wait3A_108, %dma_wait3A_109, %dma_wait3A_120] : memref<32x1x2048xi32, #tpu.memory_space<hbm>> -> memref<1x1x2048xi32, #tpu.memory_space<hbm>>
      %dma_wait3A_122 = tpu.memref_squeeze %dma_wait3A_121 : memref<1x1x2048xi32, #tpu.memory_space<hbm>> -> memref<2048xi32, #tpu.memory_space<hbm>>
      tpu.wait_dma2 semaphore(%arg9 : memref<!tpu.dma_semaphore, #tpu.memory_space<semaphore_mem>>) src(%dma_wait3A_122 : memref<2048xi32, #tpu.memory_space<hbm>>) dst(%dma_wait3A_119 : memref<2048xi32, #tpu.memory_space<vmem>>)
      %add3A_123 = arith.constant 1 : i32
      %add3A_124 = arith.addi %add3A_107, %add3A_123 : i32
      %lt3A_125 = arith.constant 32 : i32
      %lt3A_126 = arith.cmpi slt, %add3A_124, %lt3A_125 : i32
      %convert_element_type3A_127 = arith.extui %lt3A_126 : i1 to i32
      %cond3A_128 = arith.constant 0 : i32
      %cond3A_129 = arith.cmpi ne, %convert_element_type3A_127, %cond3A_128 : i32
      scf.if %cond3A_129 {
        %add3A_154 = arith.constant 1 : i32
        %add3A_155 = arith.addi %add3A_107, %add3A_154 : i32
        %dma_start3A_156 = arith.constant 0 : i32
        %dma_start3A_157 = arith.constant 0 : i32
        %dma_start3A_158 = arith.constant 0 : i32
        %dma_start3A_159 = tpu.memref_slice %arg6[%dma_start3A_157, %dma_start3A_158] : memref<2x2048xi32, #tpu.memory_space<vmem>> -> memref<1x2048xi32, #tpu.memory_space<vmem>>
        %dma_start3A_160 = tpu.memref_squeeze %dma_start3A_159 : memref<1x2048xi32, #tpu.memory_space<vmem>> -> memref<2048xi32, #tpu.memory_space<vmem>>
        %dma_start3A_161 = arith.constant 0 : i32
        %dma_start3A_162 = tpu.memref_slice %arg2[%add3A_155, %dma_start3A_156, %dma_start3A_161] : memref<32x1x2048xi32, #tpu.memory_space<hbm>> -> memref<1x1x2048xi32, #tpu.memory_space<hbm>>
        %dma_start3A_163 = tpu.memref_squeeze %dma_start3A_162 : memref<1x1x2048xi32, #tpu.memory_space<hbm>> -> memref<2048xi32, #tpu.memory_space<hbm>>
        %dma_start3A_164 = arith.constant 0 : i32
        %dma_start3A_165 = tpu.memref_slice %arg6[%dma_start3A_157, %dma_start3A_164] : memref<2x2048xi32, #tpu.memory_space<vmem>> -> memref<1x2048xi32, #tpu.memory_space<vmem>>
        %dma_start3A_166 = tpu.memref_squeeze %dma_start3A_165 : memref<1x2048xi32, #tpu.memory_space<vmem>> -> memref<2048xi32, #tpu.memory_space<vmem>>
        %dma_start3A_167 = arith.constant 0 : i32
        %dma_start3A_168 = tpu.memref_slice %arg2[%add3A_155, %dma_start3A_156, %dma_start3A_167] : memref<32x1x2048xi32, #tpu.memory_space<hbm>> -> memref<1x1x2048xi32, #tpu.memory_space<hbm>>
        %dma_start3A_169 = tpu.memref_squeeze %dma_start3A_168 : memref<1x1x2048xi32, #tpu.memory_space<hbm>> -> memref<2048xi32, #tpu.memory_space<hbm>>
        tpu.enqueue_dma source(%dma_start3A_169 : memref<2048xi32, #tpu.memory_space<hbm>>) target(%dma_start3A_166 : memref<2048xi32, #tpu.memory_space<vmem>>) target_semaphore(%arg8 : memref<!tpu.dma_semaphore, #tpu.memory_space<semaphore_mem>>)
      } else {
      }
      %ge3A_130 = arith.constant 2 : i32
      %ge3A_131 = arith.cmpi sge, %add3A_107, %ge3A_130 : i32
      %convert_element_type3A_132 = arith.extui %ge3A_131 : i1 to i32
      %cond3A_133 = arith.constant 1 : i32
      %cond3A_134 = arith.constant 0 : i32
      %cond3A_135 = arith.cmpi ne, %convert_element_type3A_132, %cond3A_134 : i32
      scf.if %cond3A_135 {
        %dma_wait3A_154 = arith.constant 0 : i32
        %dma_wait3A_155 = arith.constant 0 : i32
        %dma_wait3A_156 = tpu.memref_slice %arg7[%cond3A_133, %dma_wait3A_154, %dma_wait3A_155] : memref<2x8x2048xf32, #tpu.memory_space<vmem>> -> memref<1x8x2048xf32, #tpu.memory_space<vmem>>
        %dma_wait3A_157 = tpu.memref_squeeze %dma_wait3A_156 : memref<1x8x2048xf32, #tpu.memory_space<vmem>> -> memref<8x2048xf32, #tpu.memory_space<vmem>>
        %dma_wait3A_158 = arith.constant 0 : i32
        %dma_wait3A_159 = tpu.memref_slice %arg4[%add3A_107, %multiple_of3A, %dma_wait3A_158] : memref<32x256x2048xf32, #tpu.memory_space<hbm>> -> memref<1x8x2048xf32, #tpu.memory_space<hbm>>
        %dma_wait3A_160 = tpu.memref_squeeze %dma_wait3A_159 : memref<1x8x2048xf32, #tpu.memory_space<hbm>> -> memref<8x2048xf32, #tpu.memory_space<hbm>>
        %dma_wait3A_161 = arith.constant 0 : i32
        %dma_wait3A_162 = tpu.memref_slice %arg4[%add3A_107, %multiple_of3A, %dma_wait3A_161] : memref<32x256x2048xf32, #tpu.memory_space<hbm>> -> memref<1x8x2048xf32, #tpu.memory_space<hbm>>
        %dma_wait3A_163 = tpu.memref_squeeze %dma_wait3A_162 : memref<1x8x2048xf32, #tpu.memory_space<hbm>> -> memref<8x2048xf32, #tpu.memory_space<hbm>>
        %dma_wait3A_164 = arith.constant 0 : i32
        %dma_wait3A_165 = arith.constant 0 : i32
        %dma_wait3A_166 = tpu.memref_slice %arg7[%cond3A_133, %dma_wait3A_164, %dma_wait3A_165] : memref<2x8x2048xf32, #tpu.memory_space<vmem>> -> memref<1x8x2048xf32, #tpu.memory_space<vmem>>
        %dma_wait3A_167 = tpu.memref_squeeze %dma_wait3A_166 : memref<1x8x2048xf32, #tpu.memory_space<vmem>> -> memref<8x2048xf32, #tpu.memory_space<vmem>>
        tpu.wait_dma2 semaphore(%arg11 : memref<!tpu.dma_semaphore, #tpu.memory_space<semaphore_mem>>) src(%dma_wait3A_167 : memref<8x2048xf32, #tpu.memory_space<vmem>>) dst(%dma_wait3A_163 : memref<8x2048xf32, #tpu.memory_space<hbm>>)
      } else {
      }
      %parallel_loop3A_136 = arith.constant 0 : i32
      %parallel_loop3A_137 = arith.constant 2048 : i32
      %parallel_loop3A_138 = arith.constant 16 : i32
      scf.for %parallel_loop3A_154 = %parallel_loop3A_136 to %parallel_loop3A_137 step %parallel_loop3A_138  : i32 {
        %parallel_loop3A_155 = arith.constant 1 : i32
        %parallel_loop3A_156 = arith.index_cast %parallel_loop3A_155 : i32 to index
        %parallel_loop3A_157 = arith.index_cast %parallel_loop3A_154 : i32 to index
        %parallel_loop3A_158 = tpu.vector_load %arg6[%parallel_loop3A_156, %parallel_loop3A_157] {strides = array<i32>} : memref<2x2048xi32, #tpu.memory_space<vmem>>, vector<16xi32>,
        %parallel_loop3A_159 = arith.constant 0 : i32
        %parallel_loop3A_160 = vector.broadcast %parallel_loop3A_159 : i32 to vector<16xi32>
        %parallel_loop3A_161 = tpu.vector_load_idx %arg5[%parallel_loop3A_160, %parallel_loop3A_158] : memref<8x8192xf32, #tpu.memory_space<vmem>>[vector<16xi32>, vector<16xi32>], vector<16xf32>,
        %parallel_loop3A_162 = arith.constant 1 : i32
        %parallel_loop3A_163 = arith.constant 0 : i32
        %parallel_loop3A_164 = arith.index_cast %parallel_loop3A_162 : i32 to index
        %parallel_loop3A_165 = arith.index_cast %parallel_loop3A_163 : i32 to index
        %parallel_loop3A_166 = arith.index_cast %parallel_loop3A_154 : i32 to index
        %parallel_loop3A_167 = tpu.vector_load %arg7[%parallel_loop3A_164, %parallel_loop3A_165, %parallel_loop3A_166] {strides = array<i32>} : memref<2x8x2048xf32, #tpu.memory_space<vmem>>, vector<16xf32>,
        tpu.vector_store %arg7[%parallel_loop3A_164, %parallel_loop3A_165, %parallel_loop3A_166], %parallel_loop3A_161 {strides = array<i32>} : memref<2x8x2048xf32, #tpu.memory_space<vmem>>, vector<16xf32>,
        %parallel_loop3A_168 = arith.constant 1 : i32
        %parallel_loop3A_169 = vector.broadcast %parallel_loop3A_168 : i32 to vector<16xi32>
        %parallel_loop3A_170 = tpu.vector_load_idx %arg5[%parallel_loop3A_169, %parallel_loop3A_158] : memref<8x8192xf32, #tpu.memory_space<vmem>>[vector<16xi32>, vector<16xi32>], vector<16xf32>,
        %parallel_loop3A_171 = arith.constant 1 : i32
        %parallel_loop3A_172 = arith.constant 1 : i32
        %parallel_loop3A_173 = arith.index_cast %parallel_loop3A_171 : i32 to index
        %parallel_loop3A_174 = arith.index_cast %parallel_loop3A_172 : i32 to index
        %parallel_loop3A_175 = arith.index_cast %parallel_loop3A_154 : i32 to index
        %parallel_loop3A_176 = tpu.vector_load %arg7[%parallel_loop3A_173, %parallel_loop3A_174, %parallel_loop3A_175] {strides = array<i32>} : memref<2x8x2048xf32, #tpu.memory_space<vmem>>, vector<16xf32>,
        tpu.vector_store %arg7[%parallel_loop3A_173, %parallel_loop3A_174, %parallel_loop3A_175], %parallel_loop3A_170 {strides = array<i32>} : memref<2x8x2048xf32, #tpu.memory_space<vmem>>, vector<16xf32>,
        %parallel_loop3A_177 = arith.constant 2 : i32
        %parallel_loop3A_178 = vector.broadcast %parallel_loop3A_177 : i32 to vector<16xi32>
        %parallel_loop3A_179 = tpu.vector_load_idx %arg5[%parallel_loop3A_178, %parallel_loop3A_158] : memref<8x8192xf32, #tpu.memory_space<vmem>>[vector<16xi32>, vector<16xi32>], vector<16xf32>,
        %parallel_loop3A_180 = arith.constant 1 : i32
        %parallel_loop3A_181 = arith.constant 2 : i32
        %parallel_loop3A_182 = arith.index_cast %parallel_loop3A_180 : i32 to index
        %parallel_loop3A_183 = arith.index_cast %parallel_loop3A_181 : i32 to index
        %parallel_loop3A_184 = arith.index_cast %parallel_loop3A_154 : i32 to index
        %parallel_loop3A_185 = tpu.vector_load %arg7[%parallel_loop3A_182, %parallel_loop3A_183, %parallel_loop3A_184] {strides = array<i32>} : memref<2x8x2048xf32, #tpu.memory_space<vmem>>, vector<16xf32>,
        tpu.vector_store %arg7[%parallel_loop3A_182, %parallel_loop3A_183, %parallel_loop3A_184], %parallel_loop3A_179 {strides = array<i32>} : memref<2x8x2048xf32, #tpu.memory_space<vmem>>, vector<16xf32>,
        %parallel_loop3A_186 = arith.constant 3 : i32
        %parallel_loop3A_187 = vector.broadcast %parallel_loop3A_186 : i32 to vector<16xi32>
        %parallel_loop3A_188 = tpu.vector_load_idx %arg5[%parallel_loop3A_187, %parallel_loop3A_158] : memref<8x8192xf32, #tpu.memory_space<vmem>>[vector<16xi32>, vector<16xi32>], vector<16xf32>,
        %parallel_loop3A_189 = arith.constant 1 : i32
        %parallel_loop3A_190 = arith.constant 3 : i32
        %parallel_loop3A_191 = arith.index_cast %parallel_loop3A_189 : i32 to index
        %parallel_loop3A_192 = arith.index_cast %parallel_loop3A_190 : i32 to index
        %parallel_loop3A_193 = arith.index_cast %parallel_loop3A_154 : i32 to index
        %parallel_loop3A_194 = tpu.vector_load %arg7[%parallel_loop3A_191, %parallel_loop3A_192, %parallel_loop3A_193] {strides = array<i32>} : memref<2x8x2048xf32, #tpu.memory_space<vmem>>, vector<16xf32>,
        tpu.vector_store %arg7[%parallel_loop3A_191, %parallel_loop3A_192, %parallel_loop3A_193], %parallel_loop3A_188 {strides = array<i32>} : memref<2x8x2048xf32, #tpu.memory_space<vmem>>, vector<16xf32>,
        %parallel_loop3A_195 = arith.constant 4 : i32
        %parallel_loop3A_196 = vector.broadcast %parallel_loop3A_195 : i32 to vector<16xi32>
        %parallel_loop3A_197 = tpu.vector_load_idx %arg5[%parallel_loop3A_196, %parallel_loop3A_158] : memref<8x8192xf32, #tpu.memory_space<vmem>>[vector<16xi32>, vector<16xi32>], vector<16xf32>,
        %parallel_loop3A_198 = arith.constant 1 : i32
        %parallel_loop3A_199 = arith.constant 4 : i32
        %parallel_loop3A_200 = arith.index_cast %parallel_loop3A_198 : i32 to index
        %parallel_loop3A_201 = arith.index_cast %parallel_loop3A_199 : i32 to index
        %parallel_loop3A_202 = arith.index_cast %parallel_loop3A_154 : i32 to index
        %parallel_loop3A_203 = tpu.vector_load %arg7[%parallel_loop3A_200, %parallel_loop3A_201, %parallel_loop3A_202] {strides = array<i32>} : memref<2x8x2048xf32, #tpu.memory_space<vmem>>, vector<16xf32>,
        tpu.vector_store %arg7[%parallel_loop3A_200, %parallel_loop3A_201, %parallel_loop3A_202], %parallel_loop3A_197 {strides = array<i32>} : memref<2x8x2048xf32, #tpu.memory_space<vmem>>, vector<16xf32>,
        %parallel_loop3A_204 = arith.constant 5 : i32
        %parallel_loop3A_205 = vector.broadcast %parallel_loop3A_204 : i32 to vector<16xi32>
        %parallel_loop3A_206 = tpu.vector_load_idx %arg5[%parallel_loop3A_205, %parallel_loop3A_158] : memref<8x8192xf32, #tpu.memory_space<vmem>>[vector<16xi32>, vector<16xi32>], vector<16xf32>,
        %parallel_loop3A_207 = arith.constant 1 : i32
        %parallel_loop3A_208 = arith.constant 5 : i32
        %parallel_loop3A_209 = arith.index_cast %parallel_loop3A_207 : i32 to index
        %parallel_loop3A_210 = arith.index_cast %parallel_loop3A_208 : i32 to index
        %parallel_loop3A_211 = arith.index_cast %parallel_loop3A_154 : i32 to index
        %parallel_loop3A_212 = tpu.vector_load %arg7[%parallel_loop3A_209, %parallel_loop3A_210, %parallel_loop3A_211] {strides = array<i32>} : memref<2x8x2048xf32, #tpu.memory_space<vmem>>, vector<16xf32>,
        tpu.vector_store %arg7[%parallel_loop3A_209, %parallel_loop3A_210, %parallel_loop3A_211], %parallel_loop3A_206 {strides = array<i32>} : memref<2x8x2048xf32, #tpu.memory_space<vmem>>, vector<16xf32>,
        %parallel_loop3A_213 = arith.constant 6 : i32
        %parallel_loop3A_214 = vector.broadcast %parallel_loop3A_213 : i32 to vector<16xi32>
        %parallel_loop3A_215 = tpu.vector_load_idx %arg5[%parallel_loop3A_214, %parallel_loop3A_158] : memref<8x8192xf32, #tpu.memory_space<vmem>>[vector<16xi32>, vector<16xi32>], vector<16xf32>,
        %parallel_loop3A_216 = arith.constant 1 : i32
        %parallel_loop3A_217 = arith.constant 6 : i32
        %parallel_loop3A_218 = arith.index_cast %parallel_loop3A_216 : i32 to index
        %parallel_loop3A_219 = arith.index_cast %parallel_loop3A_217 : i32 to index
        %parallel_loop3A_220 = arith.index_cast %parallel_loop3A_154 : i32 to index
        %parallel_loop3A_221 = tpu.vector_load %arg7[%parallel_loop3A_218, %parallel_loop3A_219, %parallel_loop3A_220] {strides = array<i32>} : memref<2x8x2048xf32, #tpu.memory_space<vmem>>, vector<16xf32>,
        tpu.vector_store %arg7[%parallel_loop3A_218, %parallel_loop3A_219, %parallel_loop3A_220], %parallel_loop3A_215 {strides = array<i32>} : memref<2x8x2048xf32, #tpu.memory_space<vmem>>, vector<16xf32>,
        %parallel_loop3A_222 = arith.constant 7 : i32
        %parallel_loop3A_223 = vector.broadcast %parallel_loop3A_222 : i32 to vector<16xi32>
        %parallel_loop3A_224 = tpu.vector_load_idx %arg5[%parallel_loop3A_223, %parallel_loop3A_158] : memref<8x8192xf32, #tpu.memory_space<vmem>>[vector<16xi32>, vector<16xi32>], vector<16xf32>,
        %parallel_loop3A_225 = arith.constant 1 : i32
        %parallel_loop3A_226 = arith.constant 7 : i32
        %parallel_loop3A_227 = arith.index_cast %parallel_loop3A_225 : i32 to index
        %parallel_loop3A_228 = arith.index_cast %parallel_loop3A_226 : i32 to index
        %parallel_loop3A_229 = arith.index_cast %parallel_loop3A_154 : i32 to index
        %parallel_loop3A_230 = tpu.vector_load %arg7[%parallel_loop3A_227, %parallel_loop3A_228, %parallel_loop3A_229] {strides = array<i32>} : memref<2x8x2048xf32, #tpu.memory_space<vmem>>, vector<16xf32>,
        tpu.vector_store %arg7[%parallel_loop3A_227, %parallel_loop3A_228, %parallel_loop3A_229], %parallel_loop3A_224 {strides = array<i32>} : memref<2x8x2048xf32, #tpu.memory_space<vmem>>, vector<16xf32>,
      } {sc.loop_unroll_factor = 2 : i64, sc.parallel_access}
      %dma_start3A_139 = arith.constant 1 : i32
      %dma_start3A_140 = arith.constant 0 : i32
      %dma_start3A_141 = arith.constant 0 : i32
      %dma_start3A_142 = tpu.memref_slice %arg7[%dma_start3A_139, %dma_start3A_140, %dma_start3A_141] : memref<2x8x2048xf32, #tpu.memory_space<vmem>> -> memref<1x8x2048xf32, #tpu.memory_space<vmem>>
      %dma_start3A_143 = tpu.memref_squeeze %dma_start3A_142 : memref<1x8x2048xf32, #tpu.memory_space<vmem>> -> memref<8x2048xf32, #tpu.memory_space<vmem>>
      %dma_start3A_144 = arith.constant 0 : i32
      %dma_start3A_145 = tpu.memref_slice %arg4[%add3A_107, %multiple_of3A, %dma_start3A_144] : memref<32x256x2048xf32, #tpu.memory_space<hbm>> -> memref<1x8x2048xf32, #tpu.memory_space<hbm>>
      %dma_start3A_146 = tpu.memref_squeeze %dma_start3A_145 : memref<1x8x2048xf32, #tpu.memory_space<hbm>> -> memref<8x2048xf32, #tpu.memory_space<hbm>>
      %dma_start3A_147 = arith.constant 0 : i32
      %dma_start3A_148 = tpu.memref_slice %arg4[%add3A_107, %multiple_of3A, %dma_start3A_147] : memref<32x256x2048xf32, #tpu.memory_space<hbm>> -> memref<1x8x2048xf32, #tpu.memory_space<hbm>>
      %dma_start3A_149 = tpu.memref_squeeze %dma_start3A_148 : memref<1x8x2048xf32, #tpu.memory_space<hbm>> -> memref<8x2048xf32, #tpu.memory_space<hbm>>
      %dma_start3A_150 = arith.constant 0 : i32
      %dma_start3A_151 = arith.constant 0 : i32
      %dma_start3A_152 = tpu.memref_slice %arg7[%dma_start3A_139, %dma_start3A_150, %dma_start3A_151] : memref<2x8x2048xf32, #tpu.memory_space<vmem>> -> memref<1x8x2048xf32, #tpu.memory_space<vmem>>
      %dma_start3A_153 = tpu.memref_squeeze %dma_start3A_152 : memref<1x8x2048xf32, #tpu.memory_space<vmem>> -> memref<8x2048xf32, #tpu.memory_space<vmem>>
      tpu.enqueue_dma source(%dma_start3A_153 : memref<8x2048xf32, #tpu.memory_space<vmem>>) target(%dma_start3A_149 : memref<8x2048xf32, #tpu.memory_space<hbm>>) target_semaphore(%arg11 : memref<!tpu.dma_semaphore, #tpu.memory_space<semaphore_mem>>)
    }
    %scan3A_27 = arith.constant 16 : i32
    %dma_wait3A_28 = arith.constant 0 : i32
    %dma_wait3A_29 = arith.constant 0 : i32
    %dma_wait3A_30 = arith.constant 0 : i32
    %dma_wait3A_31 = arith.constant 0 : i32
    %dma_wait3A_32 = tpu.memref_slice %arg7[%dma_wait3A_28, %dma_wait3A_30, %dma_wait3A_31] : memref<2x8x2048xf32, #tpu.memory_space<vmem>> -> memref<1x8x2048xf32, #tpu.memory_space<vmem>>
    %dma_wait3A_33 = tpu.memref_squeeze %dma_wait3A_32 : memref<1x8x2048xf32, #tpu.memory_space<vmem>> -> memref<8x2048xf32, #tpu.memory_space<vmem>>
    %dma_wait3A_34 = arith.constant 0 : i32
    %dma_wait3A_35 = tpu.memref_slice %arg4[%dma_wait3A_29, %multiple_of3A, %dma_wait3A_34] : memref<32x256x2048xf32, #tpu.memory_space<hbm>> -> memref<1x8x2048xf32, #tpu.memory_space<hbm>>
    %dma_wait3A_36 = tpu.memref_squeeze %dma_wait3A_35 : memref<1x8x2048xf32, #tpu.memory_space<hbm>> -> memref<8x2048xf32, #tpu.memory_space<hbm>>
    %dma_wait3A_37 = arith.constant 0 : i32
    %dma_wait3A_38 = tpu.memref_slice %arg4[%dma_wait3A_29, %multiple_of3A, %dma_wait3A_37] : memref<32x256x2048xf32, #tpu.memory_space<hbm>> -> memref<1x8x2048xf32, #tpu.memory_space<hbm>>
    %dma_wait3A_39 = tpu.memref_squeeze %dma_wait3A_38 : memref<1x8x2048xf32, #tpu.memory_space<hbm>> -> memref<8x2048xf32, #tpu.memory_space<hbm>>
    %dma_wait3A_40 = arith.constant 0 : i32
    %dma_wait3A_41 = arith.constant 0 : i32
    %dma_wait3A_42 = tpu.memref_slice %arg7[%dma_wait3A_28, %dma_wait3A_40, %dma_wait3A_41] : memref<2x8x2048xf32, #tpu.memory_space<vmem>> -> memref<1x8x2048xf32, #tpu.memory_space<vmem>>
    %dma_wait3A_43 = tpu.memref_squeeze %dma_wait3A_42 : memref<1x8x2048xf32, #tpu.memory_space<vmem>> -> memref<8x2048xf32, #tpu.memory_space<vmem>>
    tpu.wait_dma2 semaphore(%arg10 : memref<!tpu.dma_semaphore, #tpu.memory_space<semaphore_mem>>) src(%dma_wait3A_43 : memref<8x2048xf32, #tpu.memory_space<vmem>>) dst(%dma_wait3A_39 : memref<8x2048xf32, #tpu.memory_space<hbm>>)
    %dma_wait3A_44 = arith.constant 1 : i32
    %dma_wait3A_45 = arith.constant 0 : i32
    %dma_wait3A_46 = arith.constant 0 : i32
    %dma_wait3A_47 = arith.constant 0 : i32
    %dma_wait3A_48 = tpu.memref_slice %arg7[%dma_wait3A_44, %dma_wait3A_46, %dma_wait3A_47] : memref<2x8x2048xf32, #tpu.memory_space<vmem>> -> memref<1x8x2048xf32, #tpu.memory_space<vmem>>
    %dma_wait3A_49 = tpu.memref_squeeze %dma_wait3A_48 : memref<1x8x2048xf32, #tpu.memory_space<vmem>> -> memref<8x2048xf32, #tpu.memory_space<vmem>>
    %dma_wait3A_50 = arith.constant 0 : i32
    %dma_wait3A_51 = tpu.memref_slice %arg4[%dma_wait3A_45, %multiple_of3A, %dma_wait3A_50] : memref<32x256x2048xf32, #tpu.memory_space<hbm>> -> memref<1x8x2048xf32, #tpu.memory_space<hbm>>
    %dma_wait3A_52 = tpu.memref_squeeze %dma_wait3A_51 : memref<1x8x2048xf32, #tpu.memory_space<hbm>> -> memref<8x2048xf32, #tpu.memory_space<hbm>>
    %dma_wait3A_53 = arith.constant 0 : i32
    %dma_wait3A_54 = tpu.memref_slice %arg4[%dma_wait3A_45, %multiple_of3A, %dma_wait3A_53] : memref<32x256x2048xf32, #tpu.memory_space<hbm>> -> memref<1x8x2048xf32, #tpu.memory_space<hbm>>
    %dma_wait3A_55 = tpu.memref_squeeze %dma_wait3A_54 : memref<1x8x2048xf32, #tpu.memory_space<hbm>> -> memref<8x2048xf32, #tpu.memory_space<hbm>>
    %dma_wait3A_56 = arith.constant 0 : i32
    %dma_wait3A_57 = arith.constant 0 : i32
    %dma_wait3A_58 = tpu.memref_slice %arg7[%dma_wait3A_44, %dma_wait3A_56, %dma_wait3A_57] : memref<2x8x2048xf32, #tpu.memory_space<vmem>> -> memref<1x8x2048xf32, #tpu.memory_space<vmem>>
    %dma_wait3A_59 = tpu.memref_squeeze %dma_wait3A_58 : memref<1x8x2048xf32, #tpu.memory_space<vmem>> -> memref<8x2048xf32, #tpu.memory_space<vmem>>
    tpu.wait_dma2 semaphore(%arg11 : memref<!tpu.dma_semaphore, #tpu.memory_space<semaphore_mem>>) src(%dma_wait3A_59 : memref<8x2048xf32, #tpu.memory_space<vmem>>) dst(%dma_wait3A_55 : memref<8x2048xf32, #tpu.memory_space<hbm>>)
    return
  }
}

module attributes {stable_mosaic.version = 14 : i64} {
  func.func @body(%arg0: i32, %arg1: memref<1x4096xf32, #tpu.memory_space<vmem>>, %arg2: memref<4096x256xf32, #tpu.memory_space<vmem>>, %arg3: memref<256x4096xf32, #tpu.memory_space<vmem>>) attributes {dimension_semantics = [#tpu.dimension_semantics<arbitrary>], iteration_bounds = array<i64: 2>, scalar_prefetch = 0 : i64, scratch_operands = 0 : i64, tpu.core_type = #tpu.core_type<tc>, window_params = [{transform_indices = @transform_0, window_bounds = array<i64: 1, 4096>}, {transform_indices = @transform_1, window_bounds = array<i64: 4096, 256>}, {transform_indices = @transform_2, window_bounds = array<i64: 256, 4096>}]} {
    %get3A = arith.constant 0 : index
    %get3A_0 = arith.constant 0 : index
    %get3A_1 = vector.load %arg1[%get3A, %get3A_0] : memref<1x4096xf32, #tpu.memory_space<vmem>>, vector<1x4096xf32>
    %max3A = arith.constant 9.99999974E-6 : f32
    %max3A_2 = vector.broadcast %max3A : f32 to vector<1x4096xf32>
    %max3A_3 = arith.maximumf %get3A_1, %max3A_2 : vector<1x4096xf32>
    %div3A = arith.constant 1.000000e+00 : f32
    %div3A_4 = vector.broadcast %div3A : f32 to vector<1x4096xf32>
    %div3A_5 = arith.divf %div3A_4, %max3A_3 : vector<1x4096xf32>
    %get3A_6 = arith.constant 0 : index
    %get3A_7 = arith.constant 0 : index
    %get3A_8 = vector.load %arg2[%get3A_6, %get3A_7] : memref<4096x256xf32, #tpu.memory_space<vmem>>, vector<4096x256xf32>
    %transpose3A = tpu.transpose %get3A_8, [1, 0] : vector<4096x256xf32> -> vector<256x4096xf32>
    %mul3A = vector.broadcast %div3A_5 : vector<1x4096xf32> to vector<256x4096xf32>
    %mul3A_9 = arith.mulf %transpose3A, %mul3A : vector<256x4096xf32>
    %swap3A = arith.constant 0 : index
    %swap3A_10 = arith.constant 0 : index
    %swap3A_11 = vector.load %arg3[%swap3A, %swap3A_10] : memref<256x4096xf32, #tpu.memory_space<vmem>>, vector<256x4096xf32>
    tpu.vector_store %arg3[%swap3A, %swap3A_10], %mul3A_9 {strides = array<i32>} : memref<256x4096xf32, #tpu.memory_space<vmem>>, vector<256x4096xf32>,
    return
  }
  func.func @transform_0(%arg0: i32) -> (i32, i32) {
    %c0_i32 = arith.constant 0 : i32
    %c0_i32_0 = arith.constant 0 : i32
    return %c0_i32, %arg0 : i32, i32
  }
  func.func @transform_1(%arg0: i32) -> (i32, i32) {
    %c0_i32 = arith.constant 0 : i32
    %c0_i32_0 = arith.constant 0 : i32
    return %arg0, %c0_i32 : i32, i32
  }
  func.func @transform_2(%arg0: i32) -> (i32, i32) {
    %c0_i32 = arith.constant 0 : i32
    %c0_i32_0 = arith.constant 0 : i32
    return %c0_i32, %arg0 : i32, i32
  }
}

</mosaic_0001>

<sc_bundles>
// kernel: kernel.4.cloned.1.call-start
scs
__scs_entry_jumppad:
0x0: {  	(pc) =	sbr.rel $0x88, $3  }
0x1: {  	(tag) =	ssettag $0x0;
	lr =	simm.s32 $0x1  }
0x2: {  	[smem:$0x3F9E] =	sst lr;
	_ =	strace $0xD0000000  }
0x3: {  	_ = 	snop  }
0x4: {  	_ = 	snop  }
0x5: {  	_ = 	snop  }
0x6: {  	_ = 	snop  }
0x7: {  	_ = 	snop  }
__scs_overlays_trampoline_lowered:
0x8: {  	[smem:$0x3FAD] =	sst s0  }
0x9: {  	[smem:$0x3FAE] =	sst s1  }
0xa: {  	[smem:$0x3FAF] =	sst s2  }
0xb: {  	[smem:$0x3FB0] =	sst s3  }
0xc: {  	[smem:$0x3FB1] =	sst s4  }
0xd: {  	[smem:$0x3FB2] =	sst s5  }
0xe: {  	[smem:$0x3FB3] =	sst s6  }
0xf: {  	[smem:$0x3FB4] =	sst s7  }
0x10: {  	[smem:$0x3FB5] =	sst s8  }
0x11: {  	[smem:$0x3FB6] =	sst s9;
	s0 =	simm.s32 @!p0 $0x0  }
0x12: {  	s1 =	sld [smem:$0x3F9C];
	s0 =	simm.s32 @p0 $0x1  }
0x13: {  	[smem:$0x3FB7] =	sst s0;
	s0 =	simm.s32 @!p1 $0x0  }
0x14: {  	s2 =	sld [smem:$0x3F9B];
	s0 =	simm.s32 @p1 $0x1  }
0x15: {  	[smem:$0x3FB8] =	sst s0;
	s0 =	simm.s32 @!p2 $0x0  }
0x16: {  	s3 =	sld [smem:$0x3FDB];
	s0 =	simm.s32 @p2 $0x1  }
0x17: {  	s4 =	simm.s32 $0x1BF5;
	[smem:$0x3FBA] =	sst s0  }
0x18: {  	s0 =	sld [smem:$0x3F9D];
	_ =	swait.ge [sflag:s4], $0x0  }
0x19: {  	s7 =	sld [smem:$0x3F9E]  }
0x1a: {  	s8 =	sadd.s32 $0xFFFFE003, lr  }
0x1b: {  	s9 =	sadd.s32 $0xFFFFFEF7, lr;
	s5 =	simm.s32 $0xFFFFFFFF;
	p2 =	slt.u32 s8, $0xFFFFF086  }
0x1c: {  	p1 =	slt.u32 s9, $0xF7A;
	s5 =	simm.s32 @!p2 $0x0  }
0x1d: {  	s5 =	simm.s32 @p1 $0x1;
	p0 =	seq.s32 s7, s2  }
0x1e: {  	s7 =	smul.u32 @!p0 $0xF7A, s2;
	p2 =	seq.s32 @!p0 s5, $0x0  }
0x1f: {  	s9 =	smul.u32 $0xF7A, s1;
	s8 =	simm.s32 @!p0 $0x1BF5;
	p2 =	por !p2, p0  }
0x20: {  	[sflag:s8] =	ssyncset.s32 @!p0 $0xFFFFF086;
	s6 =	sadd.s32 @!p0 s3, s7;
	s7 =	simm.s32 @!p0 $0x108  }
0x21: {  	s3 =	sadd.s32 s3, s9;
	s6 =	sadd.s32 @!p0 $0x88, s6;
	s7 =	simm.s32 @p2 $0x1082  }
0x22: {  	[simem:s7], [sflag:s8] =	dma.local @!p0 [hbm:s6], $0xF7A  }
0x23: {  	s9 =	sor.u32 $0xD0000000, s2;
	s6 =	simm.s32 $0x108;
	_ =	swait.ge @!p0 [sflag:s8], $0x0  }
0x24: {  	s3 =	sadd.s32 $0x88, s3;
	s6 =	simm.s32 @!p1 $0x1082;
	[sflag:s4] =	ssyncset.s32 $0xFFFFF086  }
0x25: {  	[simem:s6], [sflag:s4] =	dma.local [hbm:s3], $0xF7A  }
0x26: {  	[smem:$0x3F9E] =	sst s1;
	(tag) =	ssettag s2;
	_ =	strace s9  }
0x27: {  	s1 =	sld [smem:$0x3FAE]  }
0x28: {  	s2 =	sld [smem:$0x3FAF]  }
0x29: {  	s4 =	sld [smem:$0x3FB1]  }
0x2a: {  	p0 =	seq.s32 s5, $0x0;
	s5 =	sld [smem:$0x3FB2]  }
0x2b: {  	s6 =	sld [smem:$0x3FB3]  }
0x2c: {  	s7 =	sld [smem:$0x3FB4]  }
0x2d: {  	s3 =	simm.s32 $0x108;
	s8 =	sld [smem:$0x3FB5]  }
0x2e: {  	s3 =	simm.s32 @!p0 $0x1082;
	s9 =	sld [smem:$0x3FB6]  }
0x2f: {  	lr =	sadd.s32 s0, s3;
	s0 =	sld [smem:$0x3FAD]  }
0x30: {  	s3 =	sld [smem:$0x3FB0]  }
0x31: {  	[smem:$0x3FB9] =	sst s10  }
0x32: {  	s10 =	sld [smem:$0x3FB7];
	_ =	sdelay $0x3  }
0x33: {  	p0 =	seq.s32 s10, $0x1;
	s10 =	sld [smem:$0x3FB9];
	_ =	sdelay $0x3  }
0x34: {  	[smem:$0x3FB9] =	sst s10  }
0x35: {  	s10 =	sld [smem:$0x3FB8];
	_ =	sdelay $0x3  }
0x36: {  	p1 =	seq.s32 s10, $0x1;
	s10 =	sld [smem:$0x3FB9];
	_ =	sdelay $0x3  }
0x37: {  	[smem:$0x3FB9] =	sst s10  }
0x38: {  	s10 =	sld [smem:$0x3FBA]  }
0x39: {  	_ = 	snop;
	(pc) =	sbr.ind lr, $3  }
0x3a: {  	_ = 	snop  }
0x3b: {  	_ = 	snop  }
0x3c: {  	p2 =	seq.s32 s10, $0x1;
	s10 =	sld [smem:$0x3FB9]  }
0x3d: {  	_ =	shalt  }
0x3e: {  	_ =	shalt  }
0x3f: {  	_ =	shalt  }
0x40: {  	_ =	shalt  }
0x41: {  	_ =	shalt  }
0x42: {  	_ =	shalt  }
0x43: {  	_ =	shalt  }
0x44: {  	_ =	shalt  }
0x45: {  	_ =	shalt  }
0x46: {  	_ =	shalt  }
0x47: {  	_ =	shalt  }
0x48: {  	_ =	shalt  }
0x49: {  	_ =	shalt  }
0x4a: {  	_ =	shalt  }
0x4b: {  	_ =	shalt  }
0x4c: {  	_ =	shalt  }
0x4d: {  	_ =	shalt  }
0x4e: {  	_ =	shalt  }
0x4f: {  	_ =	shalt  }
0x50: {  	_ =	shalt  }
0x51: {  	_ =	shalt  }
0x52: {  	_ =	shalt  }
0x53: {  	_ =	shalt  }
0x54: {  	_ =	shalt  }
0x55: {  	_ =	shalt  }
0x56: {  	_ =	shalt  }
0x57: {  	_ =	shalt  }
0x58: {  	_ =	shalt  }
0x59: {  	_ =	shalt  }
0x5a: {  	_ =	shalt  }
0x5b: {  	_ =	shalt  }
0x5c: {  	_ =	shalt  }
0x5d: {  	_ =	shalt  }
0x5e: {  	_ =	shalt  }
0x5f: {  	_ =	shalt  }
0x60: {  	_ =	shalt  }
0x61: {  	_ =	shalt  }
0x62: {  	_ =	shalt  }
0x63: {  	_ =	shalt  }
0x64: {  	_ =	shalt  }
0x65: {  	_ =	shalt  }
0x66: {  	_ =	shalt  }
0x67: {  	_ =	shalt  }
0x68: {  	_ =	shalt  }
0x69: {  	_ =	shalt  }
0x6a: {  	_ =	shalt  }
0x6b: {  	_ =	shalt  }
0x6c: {  	_ =	shalt  }
0x6d: {  	_ =	shalt  }
0x6e: {  	_ =	shalt  }
0x6f: {  	_ =	shalt  }
0x70: {  	_ =	shalt  }
0x71: {  	_ =	shalt  }
0x72: {  	_ =	shalt  }
0x73: {  	_ =	shalt  }
0x74: {  	_ =	shalt  }
0x75: {  	_ =	shalt  }
0x76: {  	_ =	shalt  }
0x77: {  	_ =	shalt  }
0x78: {  	_ =	shalt  }
0x79: {  	_ =	shalt  }
0x7a: {  	_ =	shalt  }
0x7b: {  	_ =	shalt  }
0x7c: {  	_ =	shalt  }
0x7d: {  	_ =	shalt  }
0x7e: {  	_ =	shalt  }
0x7f: {  	_ =	shalt  }
0x80: {  	_ =	shalt  }
0x81: {  	_ =	shalt  }
0x82: {  	_ =	shalt  }
0x83: {  	_ =	shalt  }
0x84: {  	_ =	shalt  }
0x85: {  	_ =	shalt  }
0x86: {  	_ =	shalt  }
0x87: {  	_ =	shalt  }
.Lfunc_end0:
.L_simem_size_0:
called_computation_lowered:
.L_overlay_start_0:
0x88: {  	s2 =	sld [smem:$0x3FD9]  }
0x89: {  	s3 =	sld [smem:$0x3FFE];
	_ =	sdelay $0x1  }
0x8a: {  	s1 =	srdreg.scid  }
0x8b: {  	s0 =	sand.u32 $0x1, s1  }
0x8c: {  	s17 =	sshll.u32 s0, $0xA;
	s2 =	sadd.s32 s3, s2  }
0x8d: {  	s2 =	sadd.s32 s2, s17  }
0x8e: {  	[smem:$0x3FC5] =	sst s2  }
0x8f: {  	_ = 	snop  }
0x90: {  	s2 =	sld [smem:$0x3FC9]  }
0x91: {  	s18 =	sld [smem:$0x3FD0];
	(tm) =	ssettm $0x1  }
0x92: {  	s4 =	sld [smem:$0x3FFB];
	_ =	sdelay $0x3  }
0x93: {  	_ =	strace s4  }
0x94: {  	s4 =	sld [smem:$0x3FFC];
	_ =	sdelay $0x3  }
0x95: {  	_ =	strace s4  }
0x96: {  	s4 =	sld [smem:$0x3FFD];
	_ =	sdelay $0x3  }
0x97: {  	_ =	strace s4  }
0x98: {  	_ =	strace $0x8FFFFFFF  }
0x99: {  	s19 =	sld [smem:$0x3FDB];
	_ =	sdelay $0x1  }
0x9a: {  	s5 =	simm.s32 $_scs_section_size  }
0x9b: {  	s6 =	simm.s32 $_size__tile_overlayer_lowered;
	s7 =	simm.s32 $_tile_overlayer_lowered  }
0x9c: {  	s22 =	simm.s32 $0x1BFF;
	s21 =	sshll.u32 s7, $0x1;
	s4 =	sadd.s32 s5, s19  }
0x9d: {  	s8 =	simm.s32 $0x0;
	s20 =	sshll.u32 s6, $0x1;
	s6 =	sadd.s32 s21, s4  }
0x9e: {  	[timem:s8], [sflag:s22] =	dma.local [hbm:s6], s20  }
0x9f: {  	_ =	swait.ge [sflag:s22], s20  }
0xa0: {  	s5 =	ssub.s32 $0x0, s20;
	[sflag:s22] =	ssyncset.done $0x0  }
0xa1: {  	[sflag:s22] =	ssyncadd.s32 s5;
	_ =	sdelay $0x1  }
0xa2: {  	s23 =	simm.s32 $0x1B8B  }
0xa3: {  	_ =	swait.ge [sflag:s23], $0x1  }
0xa4: {  	[sflag:s23] =	ssyncset.done $0x0  }
0xa5: {  	s25 =	simm.s32 $0x1B8E;
	s24 =	sld [smem:$0x3FFE];
	[sflag:s23] =	ssyncadd.s32 $0xFFFFFFFF  }
0xa6: {  	s26 =	simm.s32 $execute0_lowered;
	[smem:$0x3FD2] =	sst s25  }
0xa7: {  	s6 =	sshll.u32 s26, $0x1;
	_ =	strace $0x80000046;
	[dreg:$0x1] =	wrdreg $0xFFFFFFFF  }
0xa8: {  	s28 =	simm.s32 $_size_execute0_lowered;
	s4 =	sadd.s32 s4, s6;
	[dreg:$0x0] =	wrdreg $0x0  }
0xa9: {  	s6 =	sshll.u32 s28, $0x1;
	[dreg:$0x2] =	wrdreg s4  }
0xaa: {  	[dreg:$0x3] =	wrdreg s6  }
0xab: {  	[dreg:$0x4] =	wrdreg $0xC0  }
0xac: {  	_ =	task [dreg:s8], $0x5FFFF  }
0xad: {  	[dreg:$0x1] =	wrdreg $0xFFFFFFFF  }
0xae: {  	[dreg:$0x0] =	wrdreg $0x60  }
0xaf: {  	[dreg:$0x2] =	wrdreg s2  }
0xb0: {  	[dreg:$0x3] =	wrdreg s24  }
0xb1: {  	[dreg:$0x4] =	wrdreg s18  }
0xb2: {  	[dreg:$0x5] =	wrdreg $0x9  }
0xb3: {  	_ =	task.clear_ibuf [dreg:s8], $0x6FFFF;
	_ =	strace $0x90000046  }
0xb4: {  	s29 =	simm.s32 $0x9;
	_ =	strace $0x80000048  }
0xb5: {  	_ =	swait.ge [sflag:s29], $0x1  }
0xb6: {  	[sflag:s29] =	ssyncadd.s32 $0xFFFFFFFF  }
0xb7: {  	_ =	strace $0x90000048  }
0xb8: {  	_ =	sfence  }
0xb9: {  	s30 =	sld [smem:$0x0];
	_ =	sdelay $0x2  }
0xba: {  	s31 =	sshll.u32 s1, $0xD;
	s1 =	sshrl.u32 s1, $0x2  }
0xbb: {  	s3 =	sand.u32 $0x4000, s31;
	s1 =	sadd.s32 s1, s30  }
0xbc: {  	s0 =	sor.u32 s3, s0;
	s1 =	sshll.u32 s1, $0x11  }
0xbd: {  	s0 =	sor.u32 s1, s0  }
0xbe: {  	s0 =	sadd.s32 $0x8F2B, s0  }
0xbf: {  	[sflag:s0] =	ssyncadd.remote.s32 $0x1  }
0xc0: {  	_ =	sfence.sel $0xFFFF  }
0xc1: {  	[dreg:$0x0] =	wrdreg $0xFFFFFFFF;
	(pc) =	sbr.abs _section_cstart, $3  }
0xc2: {  	[dreg:$0x1] =	wrdreg $0xFFFFFFFF  }
0xc3: {  	_ =	task.clear_ibuf [dreg:s8], $0x2FFFF;
	_ =	strace $0x9FFFFFFF  }
0xc4: {  	(tm) =	ssettm $0x7FFFFFFF  }
0xc5: {  	_ =	shalt  }
tec
execute0_lowered:
.L_overlay_start_1:
0x0: {  	(tag) =	ssettag $0x1  }
0x1: {  	s3 =	rddreg [dreg:$0x0]  }
0x2: {  	s0 =	rddreg [dreg:$0x1]  }
0x3: {  	s7 =	rddreg [dreg:$0x2];
	s4 =	simm.s32 $0x0  }
0x4: {  	[smem:$0x7FF] =	sst s4;
	s14 =	sadd.s32 $0x200, s3  }
0x5: {  	s16 =	sadd.s32 $0x10, s3;
	_ =	strace $0x80000047;
	[dreg:$0x5] =	wrdreg s14  }
0x6: {  	s17 =	sadd.s32 $0x20, s3;
	[dreg:$0x7] =	wrdreg s16  }
0x7: {  	s18 =	sadd.s32 $0x30, s3;
	[dreg:$0x8] =	wrdreg s17  }
0x8: {  	s19 =	sadd.s32 $0x40, s3;
	[dreg:$0x9] =	wrdreg s18  }
0x9: {  	s20 =	sadd.s32 $0x50, s3;
	[dreg:$0xa] =	wrdreg s19  }
0xa: {  	s21 =	sadd.s32 $0x60, s3;
	[dreg:$0xb] =	wrdreg s20  }
0xb: {  	s1 =	srdreg.scid;
	s22 =	sadd.s32 $0x70, s3;
	[dreg:$0xc] =	wrdreg s21  }
0xc: {  	s2 =	stileid.u32;
	s23 =	sadd.s32 $0x80, s3;
	[dreg:$0xd] =	wrdreg s22  }
0xd: {  	s1 =	sand.u32 $0x1, s1;
	s24 =	sadd.s32 $0x90, s3;
	[dreg:$0xe] =	wrdreg s23  }
0xe: {  	s2 =	sshll.u32 s2, $0x1;
	s25 =	sadd.s32 $0xA0, s3;
	[dreg:$0xf] =	wrdreg s24  }
0xf: {  	s26 =	sadd.s32 $0xB0, s3;
	s28 =	sadd.s32 $0xC0, s3;
	[dreg:$0x10] =	wrdreg s25  }
0x10: {  	s29 =	sadd.s32 $0xD0, s3;
	s30 =	sadd.s32 $0xE0, s3;
	[dreg:$0x11] =	wrdreg s26  }
0x11: {  	s31 =	sadd.s32 $0xF0, s3;
	s2 =	sor.u32 s1, s2;
	[dreg:$0x12] =	wrdreg s28  }
0x12: {  	s1 =	ssub.s32 $0x2, s1;
	[dreg:$0x13] =	wrdreg s29;
	s5 =	sshll.u32 s2, $0xD  }
0x13: {  	[dreg:$0x14] =	wrdreg s30;
	s13 =	sshrl.u32 s1, $0x1;
	s0 =	sadd.s32 s5, s0  }
0x14: {  	[dreg:$0x15] =	wrdreg s31;
	s1 =	ssub.s32 s1, s13;
	s0 =	sadd.s32 $0xA00, s0  }
0x15: {  	s17 =	simm.s32 $0x2;
	s15 =	smax.u32 s1, $0x1;
	[dreg:$0x4] =	wrdreg s0  }
0x16: {  	s6 =	sshll.u32 s2, $0xE;
	s2 =	simm.s32 $0x0;
	[dreg:$0x6] =	wrdreg s15  }
.LBB2_1:
0x17: {  	[dreg:$0x16] =	wrdreg s2  }
0x18: {  	s0 =	rddreg [dreg:$0x4]  }
0x19: {  	[tilespmem:s4], [sflag:$0x5] =	stream.linear.gather [hbm4b:s0+s4], $0x10000, $0x38;
	[tilespmem:$0x19000] =	vst v63  }
0x1a: {  	s1 =	rddreg [dreg:$0x0];
	s24 =	simm.s32 $0x10000  }
0x1b: {  	[tilespmem:s24], [sflag:$0x1] =	stream.linear.gather [hbm4b:s1+s4], $0x80, $0x38;
	[tilespmem:$0x19000] =	vst v63  }
0x1c: {  	s25 =	rddreg [dreg:$0x7];
	s26 =	simm.s32 $0x10100  }
0x1d: {  	[tilespmem:s26], [sflag:$0x1] =	stream.linear.gather [hbm4b:s25+s4], $0x80, $0x38;
	[tilespmem:$0x19000] =	vst v63  }
0x1e: {  	s28 =	rddreg [dreg:$0x8];
	s29 =	simm.s32 $0x10200  }
0x1f: {  	[tilespmem:s29], [sflag:$0x1] =	stream.linear.gather [hbm4b:s28+s4], $0x80, $0x38;
	[tilespmem:$0x19000] =	vst v63  }
0x20: {  	s30 =	rddreg [dreg:$0x9];
	s31 =	simm.s32 $0x10300  }
0x21: {  	[tilespmem:s31], [sflag:$0x1] =	stream.linear.gather [hbm4b:s30+s4], $0x80, $0x38;
	[tilespmem:$0x19000] =	vst v63  }
0x22: {  	s2 =	rddreg [dreg:$0xa];
	s3 =	simm.s32 $0x10400  }
0x23: {  	[tilespmem:s3], [sflag:$0x1] =	stream.linear.gather [hbm4b:s2+s4], $0x80, $0x38;
	[tilespmem:$0x19000] =	vst v63  }
0x24: {  	s5 =	rddreg [dreg:$0xb];
	s8 =	simm.s32 $0x10500  }
0x25: {  	[tilespmem:s8], [sflag:$0x1] =	stream.linear.gather [hbm4b:s5+s4], $0x80, $0x38;
	[tilespmem:$0x19000] =	vst v63  }
0x26: {  	s9 =	rddreg [dreg:$0xc];
	s10 =	simm.s32 $0x10600  }
0x27: {  	[tilespmem:s10], [sflag:$0x1] =	stream.linear.gather [hbm4b:s9+s4], $0x80, $0x38;
	[tilespmem:$0x19000] =	vst v63  }
0x28: {  	s11 =	rddreg [dreg:$0xd];
	s12 =	simm.s32 $0x10700  }
0x29: {  	[tilespmem:s12], [sflag:$0x1] =	stream.linear.gather [hbm4b:s11+s4], $0x80, $0x38;
	[tilespmem:$0x19000] =	vst v63  }
0x2a: {  	s13 =	rddreg [dreg:$0xe];
	s14 =	simm.s32 $0x10800  }
0x2b: {  	[tilespmem:s14], [sflag:$0x1] =	stream.linear.gather [hbm4b:s13+s4], $0x80, $0x38;
	[tilespmem:$0x19000] =	vst v63  }
0x2c: {  	s15 =	rddreg [dreg:$0xf];
	s16 =	simm.s32 $0x10900  }
0x2d: {  	[tilespmem:s16], [sflag:$0x1] =	stream.linear.gather [hbm4b:s15+s4], $0x80, $0x38;
	[tilespmem:$0x19000] =	vst v63  }
0x2e: {  	s18 =	rddreg [dreg:$0x10];
	s19 =	simm.s32 $0x10A00  }
0x2f: {  	[tilespmem:s19], [sflag:$0x1] =	stream.linear.gather [hbm4b:s18+s4], $0x80, $0x38;
	[tilespmem:$0x19000] =	vst v63  }
0x30: {  	s20 =	rddreg [dreg:$0x11];
	s21 =	simm.s32 $0x10B00  }
0x31: {  	[tilespmem:s21], [sflag:$0x1] =	stream.linear.gather [hbm4b:s20+s4], $0x80, $0x38;
	[tilespmem:$0x19000] =	vst v63  }
0x32: {  	s22 =	rddreg [dreg:$0x12];
	s23 =	simm.s32 $0x10C00  }
0x33: {  	[tilespmem:s23], [sflag:$0x1] =	stream.linear.gather [hbm4b:s22+s4], $0x80, $0x38;
	[tilespmem:$0x19000] =	vst v63  }
0x34: {  	s24 =	rddreg [dreg:$0x13];
	s25 =	simm.s32 $0x10D00  }
0x35: {  	[tilespmem:s25], [sflag:$0x1] =	stream.linear.gather [hbm4b:s24+s4], $0x80, $0x38;
	[tilespmem:$0x19000] =	vst v63  }
0x36: {  	s26 =	rddreg [dreg:$0x14];
	s28 =	simm.s32 $0x10E00  }
0x37: {  	[tilespmem:s28], [sflag:$0x1] =	stream.linear.gather [hbm4b:s26+s4], $0x80, $0x38;
	[tilespmem:$0x19000] =	vst v63  }
0x38: {  	s29 =	rddreg [dreg:$0x15];
	s30 =	simm.s32 $0x10F00;
	s31 =	simm.s32 $0x5  }
0x39: {  	[tilespmem:s30], [sflag:$0x1] =	stream.linear.gather [hbm4b:s29+s4], $0x80, $0x38;
	[tilespmem:$0x19000] =	vst v63  }
0x3a: {  	_ =	swait.ge [sflag:s31], $0x10000  }
0x3b: {  	[sflag:s31] =	ssyncset.done $0x0  }
0x3c: {  	s22 =	simm.s32 $0x0;
	[sflag:s31] =	ssyncadd.s32 $0xFFFF0000  }
.LBB2_2:
0x3d: {  	s0 =	simm.s32 $0x1  }
0x3e: {  	_ =	swait.ge [sflag:s0], $0x800  }
0x3f: {  	[sflag:s0] =	ssyncset.done $0x0  }
0x40: {  	s23 =	sshllo.u32 s22, $0x1;
	[sflag:s0] =	ssyncadd.s32 $0xFFFFF800  }
0x41: {  	s1 =	sshll.u32 s23, $0x8;
	s2 =	rddreg [dreg:$0x0]  }
0x42: {  	s10 =	simm.s32 $0x10080;
	s1 =	sadd.s32 s2, s1  }
0x43: {  	[tilespmem:s10], [sflag:$0x2] =	stream.linear.gather [hbm4b:s1+s4], $0x80, $0x38;
	[tilespmem:$0x19000] =	vst v63  }
0x44: {  	s11 =	simm.s32 $0x10180;
	s2 =	sadd.s32 $0x10, s1  }
0x45: {  	[tilespmem:s11], [sflag:$0x2] =	stream.linear.gather [hbm4b:s2+s4], $0x80, $0x38;
	[tilespmem:$0x19000] =	vst v63  }
0x46: {  	s13 =	simm.s32 $0x10280;
	s12 =	sadd.s32 $0x20, s1  }
0x47: {  	[tilespmem:s13], [sflag:$0x2] =	stream.linear.gather [hbm4b:s12+s4], $0x80, $0x38;
	[tilespmem:$0x19000] =	vst v63  }
0x48: {  	s15 =	simm.s32 $0x10380;
	s14 =	sadd.s32 $0x30, s1  }
0x49: {  	[tilespmem:s15], [sflag:$0x2] =	stream.linear.gather [hbm4b:s14+s4], $0x80, $0x38;
	[tilespmem:$0x19000] =	vst v63  }
0x4a: {  	s18 =	simm.s32 $0x10480;
	s16 =	sadd.s32 $0x40, s1  }
0x4b: {  	[tilespmem:s18], [sflag:$0x2] =	stream.linear.gather [hbm4b:s16+s4], $0x80, $0x38;
	[tilespmem:$0x19000] =	vst v63  }
0x4c: {  	s20 =	simm.s32 $0x10580;
	s19 =	sadd.s32 $0x50, s1  }
0x4d: {  	[tilespmem:s20], [sflag:$0x2] =	stream.linear.gather [hbm4b:s19+s4], $0x80, $0x38;
	[tilespmem:$0x19000] =	vst v63  }
0x4e: {  	s24 =	simm.s32 $0x10680;
	s21 =	sadd.s32 $0x60, s1  }
0x4f: {  	[tilespmem:s24], [sflag:$0x2] =	stream.linear.gather [hbm4b:s21+s4], $0x80, $0x38;
	[tilespmem:$0x19000] =	vst v63  }
0x50: {  	s26 =	simm.s32 $0x10780;
	s25 =	sadd.s32 $0x70, s1  }
0x51: {  	[tilespmem:s26], [sflag:$0x2] =	stream.linear.gather [hbm4b:s25+s4], $0x80, $0x38;
	[tilespmem:$0x19000] =	vst v63  }
0x52: {  	s31 =	simm.s32 $0x10880;
	s30 =	sadd.s32 $0x80, s1  }
0x53: {  	[tilespmem:s31], [sflag:$0x2] =	stream.linear.gather [hbm4b:s30+s4], $0x80, $0x38;
	[tilespmem:$0x19000] =	vst v63  }
0x54: {  	s3 =	simm.s32 $0x10980;
	s0 =	sadd.s32 $0x90, s1  }
0x55: {  	[tilespmem:s3], [sflag:$0x2] =	stream.linear.gather [hbm4b:s0+s4], $0x80, $0x38;
	[tilespmem:$0x19000] =	vst v63  }
0x56: {  	s8 =	simm.s32 $0x10A80;
	s5 =	sadd.s32 $0xA0, s1  }
0x57: {  	[tilespmem:s8], [sflag:$0x2] =	stream.linear.gather [hbm4b:s5+s4], $0x80, $0x38;
	[tilespmem:$0x19000] =	vst v63  }
0x58: {  	s9 =	sadd.s32 $0xB0, s1;
	s10 =	simm.s32 $0x10B80  }
0x59: {  	[tilespmem:s10], [sflag:$0x2] =	stream.linear.gather [hbm4b:s9+s4], $0x80, $0x38;
	[tilespmem:$0x19000] =	vst v63  }
0x5a: {  	s11 =	sadd.s32 $0xC0, s1;
	s12 =	simm.s32 $0x10C80  }
0x5b: {  	[tilespmem:s12], [sflag:$0x2] =	stream.linear.gather [hbm4b:s11+s4], $0x80, $0x38;
	[tilespmem:$0x19000] =	vst v63  }
0x5c: {  	s13 =	sadd.s32 $0xD0, s1;
	s14 =	simm.s32 $0x10D80  }
0x5d: {  	[tilespmem:s14], [sflag:$0x2] =	stream.linear.gather [hbm4b:s13+s4], $0x80, $0x38;
	[tilespmem:$0x19000] =	vst v63  }
0x5e: {  	p0 =	seq.s32 s22, $0x0;
	s15 =	sadd.s32 $0xE0, s1;
	s16 =	simm.s32 $0x10E80  }
0x5f: {  	[tilespmem:s16], [sflag:$0x2] =	stream.linear.gather [hbm4b:s15+s4], $0x80, $0x38;
	[tilespmem:$0x19000] =	vst v63  }
0x60: {  	s1 =	sadd.s32 $0xF0, s1;
	s18 =	simm.s32 $0x10F80;
	s19 =	simm.s32 $0x0  }
0x61: {  	[tilespmem:s18], [sflag:$0x2] =	stream.linear.gather [hbm4b:s1+s4], $0x80, $0x38;
	[tilespmem:$0x19000] =	vst v63  }
0x62: {  	s2 =	simm.s32 @!p0 $0x3;
	s5 =	simm.s32 $0x0;
	s1 =	sand.u32 $0x3C00, s19  }
0x63: {  	s5 =	sand.u32 $0x60, s5;
	_ =	swait.ge @!p0 [sflag:s2], $0x4000;
	s8 =	sshrl.u32 s1, $0x2  }
0x64: {  	s9 =	sor.u32 $0x10, s5;
	[sflag:s2] =	ssyncset.done @!p0 $0x0;
	s8 =	sor.u32 $0x10000, s8  }
0x65: {  	[sflag:s2] =	ssyncadd.s32 @!p0 $0xFFFFC000;
	s20 =	sor.u32 s9, s8  }
0x66: {  	v0 =	vld [tilespmem:s20+$0x0];
	_ =	sdelay $0x3  }
0x67: {  	s21 =	sor.u32 s5, s8  }
0x68: {  	v2 =	vld [tilespmem:s21+$0x0];
	v1 =	vshll.u32 v0, $0x3  }
0x69: {  	v0 =	vand.u32 $0x7F, v0;
	v1 =	vand.u32 $0xFFFFFC00, v1  }
0x6a: {  	v1 =	vor.u32 v0, v1;
	_ =	sdelay $0x2  }
0x6b: {  	s24 =	simm.s32 $0x100;
	v0 =	vshll.u32 v2, $0x3  }
0x6c: {  	s25 =	simm.s32 $0x20;
	s10 =	sand.u32 $0x3C00, s24;
	v2 =	vand.u32 $0x7F, v2;
	v0 =	vand.u32 $0xFFFFFC00, v0  }
0x6d: {  	s26 =	sshrl.u32 s10, $0x2;
	s2 =	sand.u32 $0x60, s25;
	v2 =	vor.u32 v2, v0;
	v3 =	vld.idx.msk [tilespmem:v1+s4+$0x0], $0xffff  }
0x6e: {  	s8 =	sor.u32 $0x10000, s26;
	s11 =	sor.u32 $0x10, s2;
	v4 =	vor.u32 $0x80, v1  }
0x6f: {  	s12 =	sor.u32 s11, s8  }
0x70: {  	s1 =	sadd.s32 $0x11000, s1;
	v0 =	vld [tilespmem:s12+$0x0]  }
0x71: {  	s9 =	sor.u32 s9, s1  }
0x72: {  	v5 =	vld.idx.msk [tilespmem:v2+s4+$0x0], $0xffff;
	[tilespmem:s9+$0x0] =	vst v3  }
0x73: {  	v7 =	vor.u32 $0x80, v2;
	v4 =	vld.idx.msk [tilespmem:v4+s4+$0x0], $0xffff  }
0x74: {  	v6 =	vor.u32 $0x100, v1  }
0x75: {  	v3 =	vshll.u32 v0, $0x3  }
0x76: {  	s1 =	sor.u32 s5, s1;
	s8 =	sor.u32 s2, s8;
	v0 =	vand.u32 $0x7F, v0;
	v3 =	vand.u32 $0xFFFFFC00, v3  }
0x77: {  	v8 =	vld [tilespmem:s8+$0x0];
	v3 =	vor.u32 v0, v3;
	[tilespmem:s1+$0x0] =	vst v5  }
0x78: {  	v5 =	vld.idx.msk [tilespmem:v7+s4+$0x0], $0xffff;
	[tilespmem:s9+$0x80] =	vst v4  }
0x79: {  	v7 =	vor.u32 $0x100, v2;
	v0 =	vld.idx.msk [tilespmem:v6+s4+$0x0], $0xffff  }
0x7a: {  	v6 =	vor.u32 $0x180, v1  }
0x7b: {  	s30 =	simm.s32 $0x200  }
0x7c: {  	s31 =	simm.s32 $0x40;
	s26 =	sand.u32 $0x3C00, s30;
	v4 =	vshll.u32 v8, $0x3;
	v9 =	vld.idx.msk [tilespmem:v3+s4+$0x0], $0xffff  }
0x7d: {  	s19 =	sand.u32 $0x60, s31;
	s5 =	sshrl.u32 s26, $0x2;
	v10 =	vor.u32 $0x80, v3;
	v8 =	vand.u32 $0x7F, v8;
	v4 =	vand.u32 $0xFFFFFC00, v4;
	[tilespmem:s1+$0x80] =	vst v5  }
0x7e: {  	s13 =	sor.u32 $0x10, s19;
	s5 =	sor.u32 $0x10000, s5;
	v4 =	vor.u32 v8, v4;
	v5 =	vld.idx.msk [tilespmem:v7+s4+$0x0], $0xffff;
	[tilespmem:s9+$0x100] =	vst v0  }
0x7f: {  	s3 =	simm.s32 $0x300;
	s14 =	sadd.s32 $0x11000, s10;
	s0 =	sor.u32 s13, s5;
	v0 =	vld.idx.msk [tilespmem:v6+s4+$0x0], $0xffff  }
0x80: {  	s10 =	sand.u32 $0x3C00, s3;
	s21 =	sor.u32 s11, s14;
	s5 =	sor.u32 s19, s5;
	v7 =	vld [tilespmem:s0+$0x0];
	v6 =	vor.u32 $0x200, v1  }
0x81: {  	s15 =	sshrl.u32 s10, $0x2;
	s12 =	simm.s32 $0x60;
	v8 =	vld [tilespmem:s5+$0x0];
	[tilespmem:s21+$0x0] =	vst v9  }
0x82: {  	s18 =	simm.s32 $0x400;
	s25 =	sor.u32 $0x10000, s15;
	s16 =	sand.u32 $0x60, s12;
	v9 =	vld.idx.msk [tilespmem:v10+s4+$0x0], $0xffff  }
0x83: {  	s24 =	sand.u32 $0x3C00, s18;
	s31 =	sor.u32 s16, s25;
	v11 =	vor.u32 $0x100, v3;
	s5 =	simm.s32 $0x80;
	v10 =	vld.idx.msk [tilespmem:v4+s4+$0x0], $0xffff  }
0x84: {  	s29 =	sshrl.u32 s24, $0x2;
	s20 =	sor.u32 $0x10, s16;
	v17 =	vld [tilespmem:s31+$0x0];
	v12 =	vor.u32 $0x80, v4;
	s8 =	sand.u32 $0x60, s5;
	[tilespmem:s9+$0x180] =	vst v0  }
0x85: {  	s30 =	sor.u32 $0x10000, s29;
	v15 =	vor.u32 $0x280, v1;
	v13 =	vor.u32 $0x180, v2;
	s28 =	sor.u32 s20, s25;
	s25 =	sor.u32 $0x10, s8;
	v0 =	vshll.u32 v7, $0x3;
	v6 =	vld.idx.msk [tilespmem:v6+s4+$0x0], $0xffff  }
0x86: {  	v14 =	vld [tilespmem:s28+$0x0];
	s28 =	sor.u32 s25, s30;
	v16 =	vshll.u32 v8, $0x3;
	v7 =	vand.u32 $0x7F, v7;
	v0 =	vand.u32 $0xFFFFFC00, v0  }
0x87: {  	s2 =	sor.u32 s2, s14;
	v18 =	vld [tilespmem:s28+$0x0];
	v8 =	vand.u32 $0x7F, v8;
	[tilespmem:s21+$0x80] =	vst v9;
	v0 =	vor.u32 v7, v0;
	v7 =	vand.u32 $0xFFFFFC00, v16  }
0x88: {  	[tilespmem:s2+$0x0] =	vst v10;
	v9 =	vld.idx.msk [tilespmem:v11+s4+$0x0], $0xffff;
	v7 =	vor.u32 v8, v7  }
0x89: {  	[tilespmem:s1+$0x100] =	vst v5;
	v5 =	vld.idx.msk [tilespmem:v12+s4+$0x0], $0xffff;
	v8 =	vor.u32 $0x180, v3  }
0x8a: {  	v10 =	vor.u32 $0x100, v4;
	v11 =	vld.idx.msk [tilespmem:v13+s4+$0x0], $0xffff;
	[tilespmem:s9+$0x200] =	vst v6  }
0x8b: {  	v6 =	vor.u32 $0x200, v2;
	v12 =	vld.idx.msk [tilespmem:v15+s4+$0x0], $0xffff  }
0x8c: {  	v13 =	vld.idx.msk [tilespmem:v0+s4+$0x0], $0xffff;
	v15 =	vor.u32 $0x300, v1  }
0x8d: {  	v19 =	vor.u32 $0x80, v0;
	[tilespmem:s21+$0x100] =	vst v9;
	v16 =	vld.idx.msk [tilespmem:v7+s4+$0x0], $0xffff  }
0x8e: {  	[tilespmem:s2+$0x80] =	vst v5;
	v5 =	vor.u32 $0x80, v7;
	v8 =	vld.idx.msk [tilespmem:v8+s4+$0x0], $0xffff  }
0x8f: {  	s26 =	sadd.s32 $0x11000, s26;
	[tilespmem:s1+$0x180] =	vst v11;
	v9 =	vld.idx.msk [tilespmem:v10+s4+$0x0], $0xffff;
	v10 =	vor.u32 $0x200, v3  }
0x90: {  	s28 =	sor.u32 s13, s26;
	v11 =	vor.u32 $0x180, v4;
	v6 =	vld.idx.msk [tilespmem:v6+s4+$0x0], $0xffff;
	[tilespmem:s9+$0x280] =	vst v12  }
0x91: {  	s19 =	sor.u32 s19, s26;
	v12 =	vor.u32 $0x280, v2;
	[tilespmem:s28+$0x0] =	vst v13;
	v13 =	vld.idx.msk [tilespmem:v15+s4+$0x0], $0xffff  }
0x92: {  	v15 =	vld.idx.msk [tilespmem:v19+s4+$0x0], $0xffff;
	[tilespmem:s19+$0x0] =	vst v16;
	v16 =	vor.u32 $0x380, v1  }
0x93: {  	v19 =	vor.u32 $0x100, v0;
	[tilespmem:s21+$0x180] =	vst v8;
	v5 =	vld.idx.msk [tilespmem:v5+s4+$0x0], $0xffff  }
0x94: {  	[tilespmem:s2+$0x100] =	vst v9;
	v9 =	vld.idx.msk [tilespmem:v10+s4+$0x0], $0xffff  }
0x95: {  	v8 =	vor.u32 $0x100, v7;
	v1 =	vshll.u32 v14, $0x3;
	[tilespmem:s1+$0x200] =	vst v6;
	v6 =	vld.idx.msk [tilespmem:v11+s4+$0x0], $0xffff  }
0x96: {  	v10 =	vand.u32 $0x7F, v14;
	v1 =	vand.u32 $0xFFFFFC00, v1;
	v11 =	vor.u32 $0x280, v3;
	v12 =	vld.idx.msk [tilespmem:v12+s4+$0x0], $0xffff;
	[tilespmem:s9+$0x300] =	vst v13  }
0x97: {  	v1 =	vor.u32 v10, v1;
	v13 =	vshll.u32 v17, $0x3;
	[tilespmem:s28+$0x80] =	vst v15;
	v15 =	vld.idx.msk [tilespmem:v16+s4+$0x0], $0xffff  }
0x98: {  	s31 =	sor.u32 s8, s30;
	v14 =	vand.u32 $0x7F, v17;
	v10 =	vor.u32 $0x200, v4;
	v13 =	vand.u32 $0xFFFFFC00, v13;
	v16 =	vld.idx.msk [tilespmem:v19+s4+$0x0], $0xffff  }
0x99: {  	v22 =	vld [tilespmem:s31+$0x0];
	[tilespmem:s19+$0x80] =	vst v5;
	v17 =	vor.u32 v14, v13  }
0x9a: {  	[tilespmem:s21+$0x200] =	vst v9;
	v5 =	vld.idx.msk [tilespmem:v8+s4+$0x0], $0xffff;
	v8 =	vor.u32 $0x180, v0  }
0x9b: {  	v9 =	vor.u32 $0x300, v2;
	v11 =	vld.idx.msk [tilespmem:v11+s4+$0x0], $0xffff;
	[tilespmem:s2+$0x180] =	vst v6  }
0x9c: {  	v13 =	vor.u32 $0x300, v3;
	v6 =	vld.idx.msk [tilespmem:v1+s4+$0x0], $0xffff;
	[tilespmem:s1+$0x280] =	vst v12  }
0x9d: {  	v14 =	vor.u32 $0x80, v1;
	v10 =	vld.idx.msk [tilespmem:v10+s4+$0x0], $0xffff;
	[tilespmem:s28+$0x100] =	vst v16  }
0x9e: {  	[tilespmem:s9+$0x380] =	vst v15;
	v15 =	vor.u32 $0x280, v4;
	v19 =	vld.idx.msk [tilespmem:v17+s4+$0x0], $0xffff  }
0x9f: {  	s11 =	sadd.s32 $0x11000, s10;
	v16 =	vor.u32 $0x80, v17;
	v12 =	vld.idx.msk [tilespmem:v8+s4+$0x0], $0xffff;
	[tilespmem:s19+$0x100] =	vst v5  }
0xa0: {  	s29 =	sor.u32 s20, s11;
	v20 =	vor.u32 $0x200, v0;
	v9 =	vld.idx.msk [tilespmem:v9+s4+$0x0], $0xffff;
	[tilespmem:s21+$0x280] =	vst v11  }
0xa1: {  	v11 =	vor.u32 $0x180, v7;
	[tilespmem:s29+$0x0] =	vst v6;
	v13 =	vld.idx.msk [tilespmem:v13+s4+$0x0], $0xffff  }
0xa2: {  	v24 =	vor.u32 $0x380, v2;
	s26 =	sor.u32 s16, s11;
	v25 =	vor.u32 $0x100, v1;
	v21 =	vld.idx.msk [tilespmem:v14+s4+$0x0], $0xffff;
	[tilespmem:s2+$0x200] =	vst v10  }
0xa3: {  	v2 =	vor.u32 $0x380, v4;
	v28 =	vor.u32 $0x100, v17;
	v29 =	vld.idx.msk [tilespmem:v15+s4+$0x0], $0xffff;
	[tilespmem:s26+$0x0] =	vst v19;
	v19 =	vor.u32 $0x380, v3  }
0xa4: {  	v8 =	vor.u32 $0x300, v4;
	v4 =	vor.u32 $0x300, v7;
	v5 =	vshll.u32 v18, $0x3;
	[tilespmem:s28+$0x180] =	vst v12;
	v16 =	vld.idx.msk [tilespmem:v16+s4+$0x0], $0xffff  }
0xa5: {  	v6 =	vor.u32 $0x280, v7;
	v5 =	vand.u32 $0xFFFFFC00, v5;
	v12 =	vor.u32 $0x200, v7;
	v26 =	vld.idx.msk [tilespmem:v20+s4+$0x0], $0xffff  }
0xa6: {  	[tilespmem:s1+$0x300] =	vst v9;
	v3 =	vor.u32 $0x380, v7;
	v7 =	vand.u32 $0x7F, v18;
	v18 =	vor.u32 $0x280, v0;
	v11 =	vld.idx.msk [tilespmem:v11+s4+$0x0], $0xffff  }
0xa7: {  	v14 =	vor.u32 $0x180, v17;
	v15 =	vshll.u32 v22, $0x3;
	v10 =	vor.u32 v7, v5;
	v20 =	vld.idx.msk [tilespmem:v24+s4+$0x0], $0xffff;
	[tilespmem:s21+$0x300] =	vst v13  }
0xa8: {  	v9 =	vor.u32 $0x280, v17;
	v15 =	vand.u32 $0xFFFFFC00, v15;
	v5 =	vand.u32 $0x7F, v22;
	[tilespmem:s29+$0x80] =	vst v21;
	v23 =	vld.idx.msk [tilespmem:v19+s4+$0x0], $0xffff  }
0xa9: {  	v7 =	vor.u32 $0x300, v17;
	v13 =	vor.u32 $0x200, v17;
	v27 =	vor.u32 v5, v15;
	v22 =	vld.idx.msk [tilespmem:v25+s4+$0x0], $0xffff;
	[tilespmem:s26+$0x80] =	vst v16  }
0xaa: {  	v5 =	vor.u32 $0x380, v17;
	v17 =	vor.u32 $0x180, v27;
	[tilespmem:s28+$0x200] =	vst v26;
	v26 =	vor.u32 $0x180, v1;
	v24 =	vld.idx.msk [tilespmem:v28+s4+$0x0], $0xffff  }
0xab: {  	v25 =	vor.u32 $0x200, v27;
	v15 =	vor.u32 $0x280, v27;
	[tilespmem:s2+$0x280] =	vst v29;
	v19 =	vor.u32 $0x80, v27;
	v21 =	vld.idx.msk [tilespmem:v18+s4+$0x0], $0xffff  }
0xac: {  	s9 =	simm.s32 $0x500;
	v16 =	vor.u32 $0x100, v27;
	[tilespmem:s19+$0x180] =	vst v11;
	v11 =	vor.u32 $0x380, v27;
	v18 =	vor.u32 $0x300, v27;
	v28 =	vld.idx.msk [tilespmem:v10+s4+$0x0], $0xffff  }
.LBB2_3:
0xad: {  	s5 =	sadd.s32 $0x20, s5;
	s10 =	sand.u32 $0x3C00, s9;
	v29 =	vld.idx.msk [tilespmem:v12+s4+$0x0], $0xffff;
	v30 =	vor.u32 $0x300, v0;
	[tilespmem:s21+$0x380] =	vst v23;
	v12 =	vmov v13;
	v13 =	vmov v25;
	s21 =	smov.u32 s28  }
0xae: {  	v25 =	vor.u32 $0x80, v10;
	s11 =	sand.u32 $0x60, s5;
	s12 =	sshrl.u32 s10, $0x2;
	p0 =	slt.u32 s5, $0x7E0;
	v23 =	vld.idx.msk [tilespmem:v27+s4+$0x0], $0xffff;
	[tilespmem:s29+$0x100] =	vst v22  }
0xaf: {  	s12 =	sor.u32 $0x10000, s12;
	s13 =	sor.u32 $0x10, s11;
	v22 =	vld.idx.msk [tilespmem:v26+s4+$0x0], $0xffff;
	[tilespmem:s1+$0x380] =	vst v20;
	s1 =	smov.u32 s2  }
0xb0: {  	s14 =	sor.u32 s11, s12;
	s2 =	sor.u32 s13, s12;
	s12 =	sadd.s32 $0x11000, s24;
	[tilespmem:s26+$0x100] =	vst v24;
	v20 =	vld.idx.msk [tilespmem:v8+s4+$0x0], $0xffff;
	v8 =	vmov v4;
	v4 =	vmov v7;
	v7 =	vmov v18  }
0xb1: {  	v24 =	vor.u32 $0x200, v1;
	s24 =	smov.u32 s10;
	v18 =	vld [tilespmem:s2+$0x0];
	s28 =	sor.u32 s8, s12;
	s12 =	sor.u32 s25, s12;
	[tilespmem:s21+$0x280] =	vst v21  }
0xb2: {  	s8 =	smov.u32 s11;
	s25 =	smov.u32 s13;
	s2 =	smov.u32 s19;
	[tilespmem:s12+$0x0] =	vst v28;
	v21 =	vld.idx.msk [tilespmem:v30+s4+$0x0], $0xffff  }
0xb3: {  	s19 =	smov.u32 s26;
	s26 =	smov.u32 s28;
	s28 =	smov.u32 s29;
	v25 =	vld.idx.msk [tilespmem:v25+s4+$0x0], $0xffff;
	[tilespmem:s2+$0x200] =	vst v29  }
0xb4: {  	s29 =	smov.u32 s12;
	v26 =	vld [tilespmem:s14+$0x0];
	[tilespmem:s26+$0x0] =	vst v23;
	v23 =	vor.u32 $0x380, v0;
	v0 =	vmov v1;
	v1 =	vmov v10  }
0xb5: {  	v19 =	vld.idx.msk [tilespmem:v19+s4+$0x0], $0xffff;
	v27 =	vor.u32 $0x100, v1;
	[tilespmem:s28+$0x180] =	vst v22  }
0xb6: {  	v28 =	vld.idx.msk [tilespmem:v24+s4+$0x0], $0xffff;
	[tilespmem:s1+$0x300] =	vst v20  }
0xb7: {  	v10 =	vshll.u32 v18, $0x3;
	v29 =	vld.idx.msk [tilespmem:v14+s4+$0x0], $0xffff;
	v14 =	vmov v17  }
0xb8: {  	v17 =	vand.u32 $0x7F, v18;
	v10 =	vand.u32 $0xFFFFFC00, v10;
	v18 =	vor.u32 $0x280, v0;
	v30 =	vld.idx.msk [tilespmem:v6+s4+$0x0], $0xffff;
	[tilespmem:s21+$0x300] =	vst v21;
	v6 =	vmovc v9;
	v9 =	vmovc v15  }
0xb9: {  	v10 =	vor.u32 v17, v10;
	v15 =	vand.u32 $0x7F, v26;
	v20 =	vshll.u32 v26, $0x3;
	[tilespmem:s29+$0x80] =	vst v25;
	v23 =	vld.idx.msk [tilespmem:v23+s4+$0x0], $0xffff  }
.Ltmp0:
0xba: {  	v17 =	vand.u32 $0xFFFFFC00, v20;
	v22 =	vld.idx.msk [tilespmem:v27+s4+$0x0], $0xffff;
	(pc) =	sbr.rel @p0 .LBB2_3-.Ltmp0, $4  }
0xbb: {  	v27 =	vor.u32 v15, v17;
	[tilespmem:s26+$0x80] =	vst v19;
	v20 =	vld.idx.msk [tilespmem:v2+s4+$0x0], $0xffff;
	v2 =	vmovc v3;
	v3 =	vmov v5;
	v5 =	vmov v11  }
0xbc: {  	v26 =	vor.u32 $0x180, v1;
	v19 =	vor.u32 $0x80, v27;
	v24 =	vld.idx.msk [tilespmem:v16+s4+$0x0], $0xffff;
	v16 =	vor.u32 $0x100, v27;
	[tilespmem:s28+$0x200] =	vst v28  }
0xbd: {  	v17 =	vor.u32 $0x180, v27;
	v25 =	vor.u32 $0x200, v27;
	v15 =	vor.u32 $0x280, v27;
	[tilespmem:s19+$0x180] =	vst v29;
	v21 =	vld.idx.msk [tilespmem:v18+s4+$0x0], $0xffff  }
0xbe: {  	s9 =	sadd.s32 $0x100, s9;
	v11 =	vor.u32 $0x380, v27;
	v18 =	vor.u32 $0x300, v27;
	v28 =	vld.idx.msk [tilespmem:v10+s4+$0x0], $0xffff;
	[tilespmem:s2+$0x280] =	vst v30  }
0xbf: {  	_ =	sdelay $0x3  }
0xc0: {  	v29 =	vor.u32 $0x80, v10;
	v27 =	vld.idx.msk [tilespmem:v27+s4+$0x0], $0xffff;
	_ =	sdelay $0x1  }
0xc1: {  	s5 =	sadd.s32 $0x11000, s24  }
0xc2: {  	s9 =	sor.u32 s25, s5  }
0xc3: {  	s5 =	sor.u32 s8, s5;
	[tilespmem:s9+$0x0] =	vst v28  }
0xc4: {  	v28 =	vld.idx.msk [tilespmem:v29+s4+$0x0], $0xffff;
	[tilespmem:s5+$0x0] =	vst v27  }
0xc5: {  	v27 =	vor.u32 $0x100, v10;
	v19 =	vld.idx.msk [tilespmem:v19+s4+$0x0], $0xffff;
	_ =	sdelay $0x3  }
0xc6: {  	[tilespmem:s9+$0x80] =	vst v28  }
0xc7: {  	v27 =	vld.idx.msk [tilespmem:v27+s4+$0x0], $0xffff;
	[tilespmem:s5+$0x80] =	vst v19  }
0xc8: {  	v19 =	vor.u32 $0x180, v10;
	v16 =	vld.idx.msk [tilespmem:v16+s4+$0x0], $0xffff  }
0xc9: {  	[tilespmem:s29+$0x100] =	vst v22  }
0xca: {  	[tilespmem:s26+$0x100] =	vst v24  }
0xcb: {  	[tilespmem:s21+$0x380] =	vst v23;
	v14 =	vld.idx.msk [tilespmem:v14+s4+$0x0], $0xffff  }
0xcc: {  	v22 =	vld.idx.msk [tilespmem:v26+s4+$0x0], $0xffff;
	[tilespmem:s9+$0x100] =	vst v27  }
0xcd: {  	v23 =	vor.u32 $0x200, v1;
	v19 =	vld.idx.msk [tilespmem:v19+s4+$0x0], $0xffff;
	[tilespmem:s5+$0x100] =	vst v16  }
0xce: {  	[tilespmem:s1+$0x380] =	vst v20;
	v16 =	vor.u32 $0x200, v10;
	v17 =	vld.idx.msk [tilespmem:v17+s4+$0x0], $0xffff  }
0xcf: {  	v12 =	vld.idx.msk [tilespmem:v12+s4+$0x0], $0xffff;
	[tilespmem:s28+$0x280] =	vst v21  }
0xd0: {  	v8 =	vld.idx.msk [tilespmem:v8+s4+$0x0], $0xffff;
	v20 =	vor.u32 $0x300, v0;
	[tilespmem:s26+$0x180] =	vst v14  }
0xd1: {  	[tilespmem:s29+$0x180] =	vst v22;
	v13 =	vld.idx.msk [tilespmem:v13+s4+$0x0], $0xffff  }
0xd2: {  	v21 =	vld.idx.msk [tilespmem:v23+s4+$0x0], $0xffff;
	[tilespmem:s9+$0x180] =	vst v19  }
0xd3: {  	v22 =	vor.u32 $0x280, v1;
	v14 =	vld.idx.msk [tilespmem:v16+s4+$0x0], $0xffff;
	[tilespmem:s5+$0x180] =	vst v17  }
0xd4: {  	[tilespmem:s19+$0x200] =	vst v12;
	v16 =	vor.u32 $0x280, v10;
	v12 =	vld.idx.msk [tilespmem:v25+s4+$0x0], $0xffff  }
0xd5: {  	[tilespmem:s2+$0x300] =	vst v8;
	v17 =	vld.idx.msk [tilespmem:v20+s4+$0x0], $0xffff  }
0xd6: {  	v0 =	vor.u32 $0x380, v0;
	v6 =	vld.idx.msk [tilespmem:v6+s4+$0x0], $0xffff;
	[tilespmem:s26+$0x200] =	vst v13  }
0xd7: {  	[tilespmem:s29+$0x200] =	vst v21;
	v9 =	vld.idx.msk [tilespmem:v9+s4+$0x0], $0xffff  }
0xd8: {  	v8 =	vld.idx.msk [tilespmem:v22+s4+$0x0], $0xffff;
	[tilespmem:s9+$0x200] =	vst v14  }
0xd9: {  	v19 =	vor.u32 $0x300, v1;
	v13 =	vld.idx.msk [tilespmem:v16+s4+$0x0], $0xffff;
	[tilespmem:s5+$0x200] =	vst v12  }
0xda: {  	v14 =	vor.u32 $0x300, v10;
	[tilespmem:s28+$0x300] =	vst v17;
	v12 =	vld.idx.msk [tilespmem:v15+s4+$0x0], $0xffff  }
0xdb: {  	[tilespmem:s19+$0x280] =	vst v6;
	v0 =	vld.idx.msk [tilespmem:v0+s4+$0x0], $0xffff  }
0xdc: {  	v4 =	vld.idx.msk [tilespmem:v4+s4+$0x0], $0xffff;
	[tilespmem:s26+$0x280] =	vst v9  }
0xdd: {  	[tilespmem:s29+$0x280] =	vst v8;
	v7 =	vld.idx.msk [tilespmem:v7+s4+$0x0], $0xffff  }
0xde: {  	v6 =	vld.idx.msk [tilespmem:v19+s4+$0x0], $0xffff;
	[tilespmem:s9+$0x280] =	vst v13  }
0xdf: {  	v1 =	vor.u32 $0x380, v1;
	v8 =	vld.idx.msk [tilespmem:v14+s4+$0x0], $0xffff;
	[tilespmem:s5+$0x280] =	vst v12  }
0xe0: {  	v9 =	vor.u32 $0x380, v10;
	[tilespmem:s28+$0x380] =	vst v0;
	v0 =	vld.idx.msk [tilespmem:v18+s4+$0x0], $0xffff  }
0xe1: {  	v2 =	vld.idx.msk [tilespmem:v2+s4+$0x0], $0xffff;
	[tilespmem:s19+$0x300] =	vst v4  }
0xe2: {  	v3 =	vld.idx.msk [tilespmem:v3+s4+$0x0], $0xffff;
	[tilespmem:s26+$0x300] =	vst v7  }
0xe3: {  	v5 =	vld.idx.msk [tilespmem:v5+s4+$0x0], $0xffff;
	[tilespmem:s29+$0x300] =	vst v6  }
0xe4: {  	v1 =	vld.idx.msk [tilespmem:v1+s4+$0x0], $0xffff;
	[tilespmem:s9+$0x300] =	vst v8  }
0xe5: {  	v4 =	vld.idx.msk [tilespmem:v9+s4+$0x0], $0xffff;
	[tilespmem:s5+$0x300] =	vst v0  }
0xe6: {  	[tilespmem:s2+$0x380] =	vst v2;
	v0 =	vld.idx.msk [tilespmem:v11+s4+$0x0], $0xffff  }
0xe7: {  	[tilespmem:s19+$0x380] =	vst v3  }
0xe8: {  	s11 =	sshll.u32 s22, $0x14;
	[tilespmem:s26+$0x380] =	vst v5  }
0xe9: {  	s1 =	sor.u32 s6, s11;
	[tilespmem:s29+$0x380] =	vst v1  }
0xea: {  	s1 =	sshrl.u32 s1, $0x3;
	[tilespmem:s9+$0x380] =	vst v4  }
0xeb: {  	s0 =	simm.s32 $0x11000;
	p0 =	seq.s32 s22, $0xF;
	s1 =	sadd.s32 s7, s1;
	[tilespmem:s5+$0x380] =	vst v0  }
0xec: {  	[hbm4b:s1+s4] =	stream.linear.scatter [tilespmem:s0], [sflag:$0x3], $0x4000, $0x38;
	[tilespmem:$0x19000] =	vst v63  }
0xed: {  	s2 =	simm.s32 @!p0 $0x0;
	_ =	swait.ge [sflag:s17], $0x800  }
0xee: {  	s1 =	sshll.u32 @!p0 s22, $0x9;
	[sflag:s17] =	ssyncset.done $0x0;
	s0 =	rddreg [dreg:$0x5]  }
0xef: {  	s5 =	simm.s32 @!p0 $0x10000;
	[sflag:s17] =	ssyncadd.s32 $0xFFFFF800;
	s1 =	sadd.s32 @!p0 s1, s0  }
0xf0: {  	[tilespmem:s5], [sflag:$0x1] =	stream.linear.gather @!p0 [hbm4b:s1+s2], $0x80, $0x38;
	[tilespmem:$0x19000] =	vst v63  }
0xf1: {  	s8 =	simm.s32 @!p0 $0x10100;
	s5 =	sadd.s32 @!p0 $0x10, s1  }
0xf2: {  	[tilespmem:s8], [sflag:$0x1] =	stream.linear.gather @!p0 [hbm4b:s5+s2], $0x80, $0x38;
	[tilespmem:$0x19000] =	vst v63  }
0xf3: {  	s5 =	sadd.s32 @!p0 $0x20, s1;
	s8 =	simm.s32 @!p0 $0x10200  }
0xf4: {  	[tilespmem:s8], [sflag:$0x1] =	stream.linear.gather @!p0 [hbm4b:s5+s2], $0x80, $0x38;
	[tilespmem:$0x19000] =	vst v63  }
0xf5: {  	s5 =	sadd.s32 @!p0 $0x30, s1;
	s8 =	simm.s32 @!p0 $0x10300  }
0xf6: {  	[tilespmem:s8], [sflag:$0x1] =	stream.linear.gather @!p0 [hbm4b:s5+s2], $0x80, $0x38;
	[tilespmem:$0x19000] =	vst v63  }
0xf7: {  	s5 =	sadd.s32 @!p0 $0x40, s1;
	s8 =	simm.s32 @!p0 $0x10400  }
0xf8: {  	[tilespmem:s8], [sflag:$0x1] =	stream.linear.gather @!p0 [hbm4b:s5+s2], $0x80, $0x38;
	[tilespmem:$0x19000] =	vst v63  }
0xf9: {  	s5 =	sadd.s32 @!p0 $0x50, s1;
	s8 =	simm.s32 @!p0 $0x10500  }
0xfa: {  	[tilespmem:s8], [sflag:$0x1] =	stream.linear.gather @!p0 [hbm4b:s5+s2], $0x80, $0x38;
	[tilespmem:$0x19000] =	vst v63  }
0xfb: {  	s5 =	sadd.s32 @!p0 $0x60, s1;
	s8 =	simm.s32 @!p0 $0x10600  }
0xfc: {  	[tilespmem:s8], [sflag:$0x1] =	stream.linear.gather @!p0 [hbm4b:s5+s2], $0x80, $0x38;
	[tilespmem:$0x19000] =	vst v63  }
0xfd: {  	s5 =	sadd.s32 @!p0 $0x70, s1;
	s8 =	simm.s32 @!p0 $0x10700  }
0xfe: {  	[tilespmem:s8], [sflag:$0x1] =	stream.linear.gather @!p0 [hbm4b:s5+s2], $0x80, $0x38;
	[tilespmem:$0x19000] =	vst v63  }
0xff: {  	s5 =	sadd.s32 @!p0 $0x80, s1;
	s8 =	simm.s32 @!p0 $0x10800  }
0x100: {  	[tilespmem:s8], [sflag:$0x1] =	stream.linear.gather @!p0 [hbm4b:s5+s2], $0x80, $0x38;
	[tilespmem:$0x19000] =	vst v63  }
0x101: {  	s5 =	sadd.s32 @!p0 $0x90, s1;
	s8 =	simm.s32 @!p0 $0x10900  }
0x102: {  	[tilespmem:s8], [sflag:$0x1] =	stream.linear.gather @!p0 [hbm4b:s5+s2], $0x80, $0x38;
	[tilespmem:$0x19000] =	vst v63  }
0x103: {  	s5 =	sadd.s32 @!p0 $0xA0, s1;
	s8 =	simm.s32 @!p0 $0x10A00  }
0x104: {  	[tilespmem:s8], [sflag:$0x1] =	stream.linear.gather @!p0 [hbm4b:s5+s2], $0x80, $0x38;
	[tilespmem:$0x19000] =	vst v63  }
0x105: {  	s5 =	sadd.s32 @!p0 $0xB0, s1;
	s8 =	simm.s32 @!p0 $0x10B00  }
0x106: {  	[tilespmem:s8], [sflag:$0x1] =	stream.linear.gather @!p0 [hbm4b:s5+s2], $0x80, $0x38;
	[tilespmem:$0x19000] =	vst v63  }
0x107: {  	s5 =	sadd.s32 @!p0 $0xC0, s1;
	s8 =	simm.s32 @!p0 $0x10C00  }
0x108: {  	[tilespmem:s8], [sflag:$0x1] =	stream.linear.gather @!p0 [hbm4b:s5+s2], $0x80, $0x38;
	[tilespmem:$0x19000] =	vst v63  }
0x109: {  	s5 =	sadd.s32 @!p0 $0xD0, s1;
	s8 =	simm.s32 @!p0 $0x10D00  }
0x10a: {  	[tilespmem:s8], [sflag:$0x1] =	stream.linear.gather @!p0 [hbm4b:s5+s2], $0x80, $0x38;
	[tilespmem:$0x19000] =	vst v63  }
0x10b: {  	s5 =	sadd.s32 @!p0 $0xE0, s1;
	s8 =	simm.s32 @!p0 $0x10E00  }
0x10c: {  	[tilespmem:s8], [sflag:$0x1] =	stream.linear.gather @!p0 [hbm4b:s5+s2], $0x80, $0x38;
	[tilespmem:$0x19000] =	vst v63  }
0x10d: {  	p1 =	seq.s32 @!p0 s22, $0x0;
	s1 =	sadd.s32 @!p0 $0xF0, s1;
	s5 =	simm.s32 @!p0 $0x10F00  }
0x10e: {  	[tilespmem:s5], [sflag:$0x1] =	stream.linear.gather @!p0 [hbm4b:s1+s2], $0x80, $0x38;
	[tilespmem:$0x19000] =	vst v63  }
0x10f: {  	s12 =	simm.s32 $0x0;
	p0 =	por p0, !p1  }
0x110: {  	s13 =	simm.s32 $0x0;
	s11 =	sand.u32 $0x3C00, s12;
	s0 =	simm.s32 @p0 $0x4  }
0x111: {  	s31 =	sand.u32 $0x60, s13;
	s1 =	sshrl.u32 s11, $0x2;
	_ =	swait.ge @p0 [sflag:s0], $0x4000  }
0x112: {  	s10 =	sor.u32 $0x10, s31;
	s1 =	sor.u32 $0x10000, s1;
	[sflag:s0] =	ssyncset.done @p0 $0x0  }
0x113: {  	s14 =	sor.u32 s10, s1;
	[sflag:s0] =	ssyncadd.s32 @p0 $0xFFFFC000  }
0x114: {  	v0 =	vld [tilespmem:s14+$0x80];
	_ =	sdelay $0x4  }
0x115: {  	v1 =	vshll.u32 v0, $0x3  }
0x116: {  	v0 =	vand.u32 $0x7F, v0;
	v1 =	vand.u32 $0xFFFFFC00, v1  }
0x117: {  	s1 =	sor.u32 s31, s1;
	v1 =	vor.u32 v0, v1  }
0x118: {  	v0 =	vld [tilespmem:s1+$0x80];
	_ =	sdelay $0x2  }
0x119: {  	s15 =	simm.s32 $0x100  }
0x11a: {  	s16 =	simm.s32 $0x20;
	s5 =	sand.u32 $0x3C00, s15;
	v3 =	vld.idx.msk [tilespmem:v1+s4+$0x0], $0xffff  }
0x11b: {  	s2 =	sand.u32 $0x60, s16;
	s1 =	sshrl.u32 s5, $0x2;
	v4 =	vor.u32 $0x80, v1;
	v2 =	vshll.u32 v0, $0x3  }
0x11c: {  	s8 =	sor.u32 $0x10, s2;
	s1 =	sor.u32 $0x10000, s1;
	v0 =	vand.u32 $0x7F, v0;
	v2 =	vand.u32 $0xFFFFFC00, v2  }
0x11d: {  	s12 =	sadd.s32 $0x15000, s11;
	s18 =	sor.u32 s8, s1;
	v2 =	vor.u32 v0, v2  }
0x11e: {  	s19 =	sor.u32 s10, s12;
	s1 =	sor.u32 s2, s1;
	v0 =	vld [tilespmem:s18+$0x80]  }
0x11f: {  	[tilespmem:s19+$0x0] =	vst v3;
	v3 =	vld [tilespmem:s1+$0x80]  }
0x120: {  	v4 =	vld.idx.msk [tilespmem:v4+s4+$0x0], $0xffff  }
0x121: {  	v5 =	vor.u32 $0x100, v1  }
0x122: {  	v6 =	vld.idx.msk [tilespmem:v2+s4+$0x0], $0xffff  }
0x123: {  	s20 =	sadd.s32 $0x15080, s11;
	v7 =	vor.u32 $0x80, v2;
	v8 =	vshll.u32 v0, $0x3  }
0x124: {  	s24 =	sor.u32 s10, s20;
	v0 =	vand.u32 $0x7F, v0;
	v8 =	vand.u32 $0xFFFFFC00, v8;
	v9 =	vshll.u32 v3, $0x3  }
0x125: {  	v10 =	vand.u32 $0x7F, v3;
	v3 =	vor.u32 v0, v8;
	[tilespmem:s24+$0x0] =	vst v4;
	v0 =	vand.u32 $0xFFFFFC00, v9  }
0x126: {  	s25 =	sor.u32 s31, s12;
	v5 =	vld.idx.msk [tilespmem:v5+s4+$0x0], $0xffff;
	v4 =	vor.u32 v10, v0  }
0x127: {  	[tilespmem:s25+$0x0] =	vst v6;
	v0 =	vor.u32 $0x180, v1  }
0x128: {  	s13 =	simm.s32 $0x40;
	s26 =	simm.s32 $0x200;
	v6 =	vld.idx.msk [tilespmem:v7+s4+$0x0], $0xffff  }
0x129: {  	s3 =	sadd.s32 $0x15100, s11;
	s21 =	sand.u32 $0x3C00, s26;
	s0 =	smov.u32 s7;
	v7 =	vor.u32 $0x100, v2  }
0x12a: {  	s7 =	sor.u32 s10, s3;
	s14 =	sshrl.u32 s21, $0x2;
	s19 =	sand.u32 $0x60, s13;
	v8 =	vld.idx.msk [tilespmem:v3+s4+$0x0], $0xffff  }
0x12b: {  	s15 =	sor.u32 $0x10000, s14;
	s24 =	sor.u32 $0x10, s19;
	v10 =	vor.u32 $0x80, v3;
	v9 =	vld.idx.msk [tilespmem:v4+s4+$0x0], $0xffff;
	[tilespmem:s7+$0x0] =	vst v5  }
0x12c: {  	s1 =	sor.u32 s31, s20;
	s13 =	sor.u32 s24, s15;
	v5 =	vor.u32 $0x80, v4;
	v0 =	vld.idx.msk [tilespmem:v0+s4+$0x0], $0xffff  }
0x12d: {  	s16 =	sadd.s32 $0x15000, s5;
	v11 =	vor.u32 $0x200, v1;
	[tilespmem:s1+$0x0] =	vst v6;
	v6 =	vld [tilespmem:s13+$0x80]  }
0x12e: {  	s18 =	sor.u32 s8, s16;
	s9 =	sor.u32 s19, s15;
	v7 =	vld.idx.msk [tilespmem:v7+s4+$0x0], $0xffff  }
0x12f: {  	s20 =	sadd.s32 $0x15180, s11;
	s1 =	sor.u32 s2, s16;
	[tilespmem:s18+$0x0] =	vst v8;
	v8 =	vld [tilespmem:s9+$0x80]  }
0x130: {  	v12 =	vor.u32 $0x180, v2;
	s25 =	sor.u32 s10, s20;
	v10 =	vld.idx.msk [tilespmem:v10+s4+$0x0], $0xffff;
	[tilespmem:s1+$0x0] =	vst v9  }
0x131: {  	s26 =	sor.u32 s31, s3;
	s3 =	sadd.s32 $0x15080, s5;
	v9 =	vld.idx.msk [tilespmem:v5+s4+$0x0], $0xffff;
	v5 =	vor.u32 $0x100, v3;
	[tilespmem:s25+$0x0] =	vst v0  }
0x132: {  	s14 =	simm.s32 $0x300;
	s7 =	sor.u32 s8, s3;
	v0 =	vshll.u32 v6, $0x3;
	v11 =	vld.idx.msk [tilespmem:v11+s4+$0x0], $0xffff  }
0x133: {  	s13 =	sor.u32 s31, s20;
	s16 =	simm.s32 $0x60;
	v6 =	vand.u32 $0x7F, v6;
	[tilespmem:s26+$0x0] =	vst v7;
	v0 =	vand.u32 $0xFFFFFC00, v0;
	v7 =	vor.u32 $0x280, v1;
	s26 =	sand.u32 $0x3C00, s14  }
0x134: {  	s9 =	sadd.s32 $0x15200, s11;
	s25 =	sand.u32 $0x60, s16;
	v0 =	vor.u32 v6, v0;
	s20 =	sshrl.u32 s26, $0x2  }
0x135: {  	v13 =	vor.u32 $0x100, v4;
	s1 =	sor.u32 s2, s3;
	s28 =	sor.u32 $0x10, s25;
	v12 =	vld.idx.msk [tilespmem:v12+s4+$0x0], $0xffff;
	v14 =	vshll.u32 v8, $0x3;
	[tilespmem:s7+$0x0] =	vst v10;
	s3 =	sor.u32 $0x10000, s20  }
0x136: {  	s12 =	sor.u32 s10, s9;
	v6 =	vor.u32 $0x200, v2;
	v8 =	vand.u32 $0x7F, v8;
	v10 =	vand.u32 $0xFFFFFC00, v14;
	s14 =	sor.u32 s28, s3;
	v14 =	vld.idx.msk [tilespmem:v5+s4+$0x0], $0xffff  }
0x137: {  	v5 =	vor.u32 v8, v10;
	v15 =	vld [tilespmem:s14+$0x80];
	[tilespmem:s12+$0x0] =	vst v11  }
0x138: {  	[tilespmem:s1+$0x0] =	vst v9;
	v9 =	vor.u32 $0x180, v3;
	v7 =	vld.idx.msk [tilespmem:v7+s4+$0x0], $0xffff  }
0x139: {  	v10 =	vld.idx.msk [tilespmem:v0+s4+$0x0], $0xffff  }
0x13a: {  	s15 =	sadd.s32 $0x15100, s5;
	v8 =	vld.idx.msk [tilespmem:v13+s4+$0x0], $0xffff;
	v11 =	vor.u32 $0x300, v1;
	[tilespmem:s13+$0x0] =	vst v12  }
0x13b: {  	s18 =	sor.u32 s8, s15;
	v13 =	vor.u32 $0x80, v0;
	s13 =	sadd.s32 $0x15280, s11;
	v6 =	vld.idx.msk [tilespmem:v6+s4+$0x0], $0xffff  }
0x13c: {  	s30 =	sadd.s32 $0x15000, s21;
	s29 =	sor.u32 s10, s13;
	v12 =	vld.idx.msk [tilespmem:v5+s4+$0x0], $0xffff;
	[tilespmem:s18+$0x0] =	vst v14  }
0x13d: {  	s7 =	sor.u32 s24, s30;
	s12 =	sor.u32 s25, s3;
	v14 =	vor.u32 $0x80, v5;
	v9 =	vld.idx.msk [tilespmem:v9+s4+$0x0], $0xffff;
	[tilespmem:s29+$0x0] =	vst v7  }
0x13e: {  	v16 =	vor.u32 $0x200, v3;
	[tilespmem:s7+$0x0] =	vst v10;
	v10 =	vld [tilespmem:s12+$0x80]  }
0x13f: {  	s1 =	sor.u32 s2, s15;
	v7 =	vor.u32 $0x180, v4;
	v11 =	vld.idx.msk [tilespmem:v11+s4+$0x0], $0xffff  }
0x140: {  	v17 =	vor.u32 $0x280, v2;
	[tilespmem:s1+$0x0] =	vst v8;
	s29 =	sor.u32 s19, s30;
	s30 =	sadd.s32 $0x15180, s5;
	v13 =	vld.idx.msk [tilespmem:v13+s4+$0x0], $0xffff  }
0x141: {  	v18 =	vor.u32 $0x100, v0;
	s14 =	sor.u32 s8, s30;
	[tilespmem:s29+$0x0] =	vst v12  }
0x142: {  	s9 =	sor.u32 s31, s9;
	s12 =	sadd.s32 $0x15300, s11;
	v12 =	vor.u32 $0x380, v1;
	v14 =	vld.idx.msk [tilespmem:v14+s4+$0x0], $0xffff;
	[tilespmem:s14+$0x0] =	vst v9  }
0x143: {  	s15 =	sadd.s32 $0x15080, s21;
	[tilespmem:s9+$0x0] =	vst v6;
	s16 =	sor.u32 s10, s12;
	v1 =	vshll.u32 v15, $0x3;
	v9 =	vor.u32 $0x100, v5;
	v8 =	vld.idx.msk [tilespmem:v16+s4+$0x0], $0xffff  }
0x144: {  	s18 =	sor.u32 s24, s15;
	v1 =	vand.u32 $0xFFFFFC00, v1;
	v6 =	vld.idx.msk [tilespmem:v7+s4+$0x0], $0xffff;
	v7 =	vand.u32 $0x7F, v15;
	v15 =	vor.u32 $0x280, v3;
	[tilespmem:s16+$0x0] =	vst v11  }
0x145: {  	v16 =	vld.idx.msk [tilespmem:v17+s4+$0x0], $0xffff;
	v11 =	vshll.u32 v10, $0x3;
	v1 =	vor.u32 v7, v1;
	[tilespmem:s18+$0x0] =	vst v13  }
0x146: {  	s1 =	sor.u32 s19, s15;
	s14 =	sadd.s32 $0x15200, s5;
	v7 =	vor.u32 $0x200, v4;
	v10 =	vand.u32 $0x7F, v10;
	v11 =	vand.u32 $0xFFFFFC00, v11;
	v13 =	vld.idx.msk [tilespmem:v18+s4+$0x0], $0xffff  }
0x147: {  	s20 =	sor.u32 s8, s14;
	v12 =	vld.idx.msk [tilespmem:v12+s4+$0x0], $0xffff;
	v17 =	vor.u32 v10, v11;
	[tilespmem:s1+$0x0] =	vst v14  }
0x148: {  	v10 =	vor.u32 $0x180, v0;
	v9 =	vld.idx.msk [tilespmem:v9+s4+$0x0], $0xffff;
	[tilespmem:s20+$0x0] =	vst v8  }
0x149: {  	s3 =	sor.u32 s2, s30;
	s29 =	simm.s32 $0x400;
	v11 =	vor.u32 $0x300, v2;
	v8 =	vld.idx.msk [tilespmem:v15+s4+$0x0], $0xffff  }
0x14a: {  	s15 =	sadd.s32 $0x15100, s21;
	s9 =	simm.s32 $0x80;
	s29 =	sand.u32 $0x3C00, s29;
	[tilespmem:s3+$0x0] =	vst v6;
	v6 =	vld.idx.msk [tilespmem:v1+s4+$0x0], $0xffff  }
0x14b: {  	s30 =	sor.u32 s24, s15;
	s16 =	sshrl.u32 s29, $0x2;
	s18 =	sor.u32 s31, s13;
	v14 =	vld.idx.msk [tilespmem:v7+s4+$0x0], $0xffff;
	v7 =	vor.u32 $0x300, v3  }
0x14c: {  	s13 =	sadd.s32 $0x15280, s5;
	v18 =	vor.u32 $0x80, v1;
	s16 =	sor.u32 $0x10000, s16;
	s1 =	sand.u32 $0x60, s9;
	[tilespmem:s30+$0x0] =	vst v13;
	v15 =	vld.idx.msk [tilespmem:v17+s4+$0x0], $0xffff  }
0x14d: {  	s7 =	sor.u32 s8, s13;
	[tilespmem:s18+$0x0] =	vst v16;
	s18 =	sadd.s32 $0x15000, s26;
	s30 =	sor.u32 $0x10, s1;
	v10 =	vld.idx.msk [tilespmem:v10+s4+$0x0], $0xffff  }
0x14e: {  	s11 =	sadd.s32 $0x15380, s11;
	s20 =	sor.u32 s28, s18;
	v13 =	vor.u32 $0x80, v17;
	s3 =	sor.u32 s30, s16;
	v19 =	vld.idx.msk [tilespmem:v11+s4+$0x0], $0xffff;
	[tilespmem:s7+$0x0] =	vst v8  }
0x14f: {  	v11 =	vor.u32 $0x200, v0;
	v16 =	vld [tilespmem:s3+$0x80];
	[tilespmem:s20+$0x0] =	vst v6;
	s7 =	sor.u32 s10, s11  }
0x150: {  	v21 =	vor.u32 $0x280, v4;
	s18 =	sor.u32 s25, s18;
	s10 =	sor.u32 s1, s16;
	s16 =	sadd.s32 $0x15180, s21;
	v20 =	vld.idx.msk [tilespmem:v7+s4+$0x0], $0xffff;
	[tilespmem:s7+$0x0] =	vst v12  }
0x151: {  	v6 =	vor.u32 $0x180, v5;
	v18 =	vld.idx.msk [tilespmem:v18+s4+$0x0], $0xffff;
	s20 =	sor.u32 s24, s16;
	[tilespmem:s18+$0x0] =	vst v15  }
0x152: {  	v22 =	vor.u32 $0x380, v2;
	v25 =	vor.u32 $0x100, v1;
	v23 =	vld [tilespmem:s10+$0x80];
	s7 =	sor.u32 s19, s15;
	[tilespmem:s20+$0x0] =	vst v10  }
0x153: {  	v2 =	vor.u32 $0x380, v4;
	v26 =	vor.u32 $0x100, v17;
	s15 =	sor.u32 s2, s14;
	v15 =	vor.u32 $0x380, v3;
	[tilespmem:s7+$0x0] =	vst v9;
	v24 =	vld.idx.msk [tilespmem:v13+s4+$0x0], $0xffff  }
0x154: {  	v8 =	vor.u32 $0x300, v4;
	v4 =	vor.u32 $0x300, v5;
	v12 =	vor.u32 $0x200, v5;
	[tilespmem:s15+$0x0] =	vst v14;
	v9 =	vld.idx.msk [tilespmem:v11+s4+$0x0], $0xffff  }
0x155: {  	s12 =	sor.u32 s31, s12;
	v7 =	vor.u32 $0x280, v5;
	s10 =	sadd.s32 $0x15300, s5;
	v3 =	vor.u32 $0x380, v5;
	v5 =	vshll.u32 v16, $0x3;
	v30 =	vld.idx.msk [tilespmem:v21+s4+$0x0], $0xffff  }
0x156: {  	v29 =	vor.u32 $0x280, v0;
	s18 =	sadd.s32 $0x15080, s26;
	s20 =	sor.u32 s8, s10;
	[tilespmem:s12+$0x0] =	vst v19;
	v5 =	vand.u32 $0xFFFFFC00, v5;
	v28 =	vld.idx.msk [tilespmem:v6+s4+$0x0], $0xffff;
	v6 =	vand.u32 $0x7F, v16  }
0x157: {  	v14 =	vor.u32 $0x180, v17;
	s7 =	sor.u32 s28, s18;
	[tilespmem:s20+$0x0] =	vst v20;
	v10 =	vshll.u32 v23, $0x3;
	v11 =	vor.u32 v6, v5;
	v20 =	vld.idx.msk [tilespmem:v22+s4+$0x0], $0xffff  }
0x158: {  	s14 =	sadd.s32 $0x15200, s21;
	v13 =	vor.u32 $0x200, v17;
	s3 =	sor.u32 s25, s18;
	[tilespmem:s7+$0x0] =	vst v18;
	v5 =	vand.u32 $0x7F, v23;
	v21 =	vld.idx.msk [tilespmem:v15+s4+$0x0], $0xffff;
	v15 =	vand.u32 $0xFFFFFC00, v10  }
0x159: {  	s15 =	sor.u32 s24, s14;
	v6 =	vor.u32 $0x300, v17;
	v23 =	vld.idx.msk [tilespmem:v25+s4+$0x0], $0xffff;
	v10 =	vor.u32 $0x280, v17;
	v27 =	vor.u32 v5, v15;
	[tilespmem:s3+$0x0] =	vst v24  }
0x15a: {  	s11 =	sor.u32 s31, s11;
	s5 =	sadd.s32 $0x15380, s5;
	s18 =	sor.u32 s2, s13;
	v5 =	vor.u32 $0x380, v17;
	[tilespmem:s15+$0x0] =	vst v9;
	v19 =	vor.u32 $0x80, v27;
	v25 =	vld.idx.msk [tilespmem:v26+s4+$0x0], $0xffff;
	v26 =	vor.u32 $0x180, v1  }
0x15b: {  	s10 =	sor.u32 s2, s10;
	s31 =	sor.u32 s19, s14;
	s20 =	sor.u32 s19, s16;
	[tilespmem:s18+$0x0] =	vst v30;
	v16 =	vor.u32 $0x100, v27;
	v18 =	vor.u32 $0x180, v27;
	v24 =	vor.u32 $0x200, v27;
	v22 =	vld.idx.msk [tilespmem:v29+s4+$0x0], $0xffff  }
0x15c: {  	s12 =	simm.s32 $0x500;
	s8 =	sor.u32 s8, s5;
	s13 =	sadd.s32 $0x15100, s26;
	v15 =	vor.u32 $0x280, v27;
	v17 =	vor.u32 $0x300, v27;
	v9 =	vor.u32 $0x380, v27;
	[tilespmem:s20+$0x0] =	vst v28;
	v28 =	vld.idx.msk [tilespmem:v11+s4+$0x0], $0xffff  }
.LBB2_5:
0x15d: {  	s9 =	sadd.s32 $0x20, s9;
	s3 =	sand.u32 $0x3C00, s12;
	s14 =	sor.u32 s28, s13;
	v29 =	vld.idx.msk [tilespmem:v12+s4+$0x0], $0xffff;
	v30 =	vor.u32 $0x300, v0;
	[tilespmem:s8+$0x0] =	vst v21;
	v12 =	vmov v13;
	v13 =	vmov v24  }
0x15e: {  	v24 =	vor.u32 $0x80, v11;
	s16 =	sor.u32 s25, s13;
	s15 =	sand.u32 $0x60, s9;
	s8 =	sshrl.u32 s3, $0x2;
	v21 =	vld.idx.msk [tilespmem:v27+s4+$0x0], $0xffff;
	[tilespmem:s14+$0x0] =	vst v23  }
0x15f: {  	s14 =	sadd.s32 $0x15280, s21;
	s8 =	sor.u32 $0x10000, s8;
	s13 =	sor.u32 $0x10, s15;
	v23 =	vld.idx.msk [tilespmem:v26+s4+$0x0], $0xffff;
	[tilespmem:s11+$0x0] =	vst v20  }
0x160: {  	s18 =	sadd.s32 $0x15000, s29;
	s11 =	sor.u32 s13, s8;
	[tilespmem:s16+$0x0] =	vst v25;
	s16 =	sor.u32 s24, s14;
	v20 =	vld.idx.msk [tilespmem:v8+s4+$0x0], $0xffff;
	v8 =	vmov v4;
	v4 =	vmov v6;
	v6 =	vmov v17  }
0x161: {  	s20 =	sor.u32 s1, s18;
	s7 =	sor.u32 s15, s8;
	s8 =	sor.u32 s30, s18;
	v25 =	vor.u32 $0x200, v1;
	v17 =	vld [tilespmem:s11+$0x80];
	[tilespmem:s16+$0x0] =	vst v22  }
0x162: {  	p0 =	slt.u32 s9, $0x7E0;
	s11 =	sor.u32 s2, s5;
	[tilespmem:s8+$0x0] =	vst v28;
	s8 =	sor.u32 s19, s14;
	v22 =	vld.idx.msk [tilespmem:v30+s4+$0x0], $0xffff  }
0x163: {  	s2 =	sadd.s32 $0x15180, s26;
	s14 =	smov.u32 s29;
	s29 =	smov.u32 s3;
	v24 =	vld.idx.msk [tilespmem:v24+s4+$0x0], $0xffff;
	[tilespmem:s31+$0x0] =	vst v29  }
0x164: {  	s5 =	sor.u32 s25, s2;
	s3 =	sor.u32 s28, s2;
	s2 =	smov.u32 s19;
	v26 =	vld [tilespmem:s7+$0x80];
	[tilespmem:s20+$0x0] =	vst v21;
	v21 =	vor.u32 $0x380, v0;
	v0 =	vmov v1;
	v1 =	vmov v11  }
0x165: {  	s19 =	smov.u32 s25;
	s25 =	smov.u32 s1;
	s1 =	smov.u32 s15;
	v19 =	vld.idx.msk [tilespmem:v19+s4+$0x0], $0xffff;
	v27 =	vor.u32 $0x100, v1;
	[tilespmem:s3+$0x0] =	vst v23  }
0x166: {  	s7 =	smov.u32 s24;
	s24 =	smov.u32 s28;
	s3 =	sadd.s32 $0x15300, s21;
	v28 =	vld.idx.msk [tilespmem:v25+s4+$0x0], $0xffff;
	[tilespmem:s10+$0x0] =	vst v20  }
0x167: {  	s15 =	sadd.s32 $0x15080, s14;
	v11 =	vshll.u32 v17, $0x3;
	s10 =	sor.u32 s2, s3;
	s3 =	sor.u32 s7, s3;
	v29 =	vld.idx.msk [tilespmem:v14+s4+$0x0], $0xffff;
	v14 =	vmov v18  }
0x168: {  	s16 =	sor.u32 s25, s15;
	s15 =	sor.u32 s30, s15;
	s28 =	smov.u32 s30;
	v30 =	vor.u32 $0x280, v0;
	v17 =	vand.u32 $0x7F, v17;
	v11 =	vand.u32 $0xFFFFFC00, v11;
	v31 =	vld.idx.msk [tilespmem:v7+s4+$0x0], $0xffff;
	[tilespmem:s3+$0x0] =	vst v22;
	v7 =	vmovc v10;
	v10 =	vmovc v15  }
0x169: {  	s30 =	smov.u32 s13;
	v11 =	vor.u32 v17, v11;
	v15 =	vand.u32 $0x7F, v26;
	v18 =	vshll.u32 v26, $0x3;
	[tilespmem:s15+$0x0] =	vst v24;
	v21 =	vld.idx.msk [tilespmem:v21+s4+$0x0], $0xffff  }
.Ltmp1:
0x16a: {  	s3 =	sadd.s32 $0x15200, s26;
	v17 =	vand.u32 $0xFFFFFC00, v18;
	v23 =	vld.idx.msk [tilespmem:v27+s4+$0x0], $0xffff;
	(pc) =	sbr.rel @p0 .LBB2_5-.Ltmp1, $4  }
0x16b: {  	s31 =	sor.u32 s19, s3;
	s3 =	sor.u32 s24, s3;
	v27 =	vor.u32 v15, v17;
	[tilespmem:s16+$0x0] =	vst v19;
	v20 =	vld.idx.msk [tilespmem:v2+s4+$0x0], $0xffff;
	v2 =	vmovc v3;
	v3 =	vmov v5;
	v5 =	vmov v9  }
0x16c: {  	v26 =	vor.u32 $0x180, v1;
	v19 =	vor.u32 $0x80, v27;
	v25 =	vld.idx.msk [tilespmem:v16+s4+$0x0], $0xffff;
	v16 =	vor.u32 $0x100, v27;
	[tilespmem:s3+$0x0] =	vst v28  }
0x16d: {  	v18 =	vor.u32 $0x180, v27;
	v24 =	vor.u32 $0x200, v27;
	v15 =	vor.u32 $0x280, v27;
	[tilespmem:s5+$0x0] =	vst v29;
	v22 =	vld.idx.msk [tilespmem:v30+s4+$0x0], $0xffff;
	s5 =	sadd.s32 $0x15380, s21;
	s21 =	smov.u32 s26;
	s26 =	smov.u32 s14  }
0x16e: {  	s12 =	sadd.s32 $0x100, s12;
	v17 =	vor.u32 $0x300, v27;
	v9 =	vor.u32 $0x380, v27;
	v28 =	vld.idx.msk [tilespmem:v11+s4+$0x0], $0xffff;
	s13 =	sadd.s32 $0x15100, s26;
	[tilespmem:s8+$0x0] =	vst v31;
	s8 =	sor.u32 s7, s5  }
0x16f: {  	_ =	sdelay $0x3  }
0x170: {  	v29 =	vor.u32 $0x80, v11;
	v27 =	vld.idx.msk [tilespmem:v27+s4+$0x0], $0xffff;
	_ =	sdelay $0x1  }
0x171: {  	s3 =	sadd.s32 $0x15000, s29  }
0x172: {  	s7 =	sor.u32 s30, s3  }
0x173: {  	s3 =	sor.u32 s1, s3;
	[tilespmem:s7+$0x0] =	vst v28  }
0x174: {  	v28 =	vld.idx.msk [tilespmem:v29+s4+$0x0], $0xffff;
	[tilespmem:s3+$0x0] =	vst v27  }
0x175: {  	v42 =	vor.u32 $0x100, v11;
	v19 =	vld.idx.msk [tilespmem:v19+s4+$0x0], $0xffff;
	_ =	sdelay $0x1  }
0x176: {  	s15 =	sadd.s32 $0x15080, s29  }
0x177: {  	s16 =	sor.u32 s30, s15  }
0x178: {  	s3 =	sor.u32 s1, s15;
	[tilespmem:s16+$0x0] =	vst v28  }
0x179: {  	v27 =	vld.idx.msk [tilespmem:v42+s4+$0x0], $0xffff;
	[tilespmem:s3+$0x0] =	vst v19  }
0x17a: {  	v43 =	vor.u32 $0x180, v11;
	v16 =	vld.idx.msk [tilespmem:v16+s4+$0x0], $0xffff  }
0x17b: {  	s18 =	sor.u32 s28, s13;
	[tilespmem:s8+$0x0] =	vst v21  }
0x17c: {  	s20 =	sadd.s32 $0x15100, s29;
	s9 =	sor.u32 s25, s13;
	v8 =	vld.idx.msk [tilespmem:v8+s4+$0x0], $0xffff;
	[tilespmem:s18+$0x0] =	vst v23  }
0x17d: {  	s8 =	sor.u32 s30, s20;
	v44 =	vld.idx.msk [tilespmem:v26+s4+$0x0], $0xffff;
	[tilespmem:s9+$0x0] =	vst v25  }
0x17e: {  	v45 =	vor.u32 $0x200, v1;
	v14 =	vld.idx.msk [tilespmem:v14+s4+$0x0], $0xffff;
	s3 =	sor.u32 s1, s20;
	[tilespmem:s8+$0x0] =	vst v27  }
0x17f: {  	v19 =	vld.idx.msk [tilespmem:v43+s4+$0x0], $0xffff;
	[tilespmem:s3+$0x0] =	vst v16  }
0x180: {  	s12 =	sadd.s32 $0x15180, s26;
	v46 =	vor.u32 $0x200, v11;
	[tilespmem:s11+$0x0] =	vst v20;
	v18 =	vld.idx.msk [tilespmem:v18+s4+$0x0], $0xffff  }
0x181: {  	v12 =	vld.idx.msk [tilespmem:v12+s4+$0x0], $0xffff;
	s13 =	sor.u32 s28, s12;
	[tilespmem:s10+$0x0] =	vst v8  }
0x182: {  	s14 =	sadd.s32 $0x15180, s29;
	s7 =	sor.u32 s25, s12;
	v2 =	vld.idx.msk [tilespmem:v2+s4+$0x0], $0xffff;
	[tilespmem:s13+$0x0] =	vst v44  }
0x183: {  	s15 =	sor.u32 s30, s14;
	v21 =	vld.idx.msk [tilespmem:v45+s4+$0x0], $0xffff;
	[tilespmem:s7+$0x0] =	vst v14  }
0x184: {  	v48 =	vor.u32 $0x280, v1;
	v13 =	vld.idx.msk [tilespmem:v13+s4+$0x0], $0xffff;
	s16 =	sor.u32 s1, s14;
	[tilespmem:s15+$0x0] =	vst v19  }
0x185: {  	v49 =	vld.idx.msk [tilespmem:v46+s4+$0x0], $0xffff;
	[tilespmem:s16+$0x0] =	vst v18  }
0x186: {  	v50 =	vor.u32 $0x280, v11;
	s2 =	sor.u32 s2, s5;
	s18 =	sadd.s32 $0x15200, s26;
	[tilespmem:s31+$0x0] =	vst v12;
	v51 =	vld.idx.msk [tilespmem:v24+s4+$0x0], $0xffff  }
0x187: {  	s20 =	sor.u32 s28, s18;
	[tilespmem:s2+$0x0] =	vst v2  }
0x188: {  	v47 =	vor.u32 $0x300, v0;
	s31 =	sadd.s32 $0x15200, s29;
	v7 =	vld.idx.msk [tilespmem:v7+s4+$0x0], $0xffff;
	[tilespmem:s20+$0x0] =	vst v21;
	s8 =	sor.u32 s25, s18  }
0x189: {  	s11 =	sor.u32 s30, s31;
	v54 =	vld.idx.msk [tilespmem:v48+s4+$0x0], $0xffff;
	[tilespmem:s8+$0x0] =	vst v13  }
0x18a: {  	v55 =	vor.u32 $0x300, v1;
	s7 =	sor.u32 s1, s31;
	s3 =	sadd.s32 $0x15280, s21;
	v10 =	vld.idx.msk [tilespmem:v10+s4+$0x0], $0xffff;
	[tilespmem:s11+$0x0] =	vst v49  }
0x18b: {  	s9 =	sor.u32 s24, s3;
	v56 =	vld.idx.msk [tilespmem:v50+s4+$0x0], $0xffff;
	[tilespmem:s7+$0x0] =	vst v51  }
0x18c: {  	v57 =	vor.u32 $0x300, v11;
	s14 =	sadd.s32 $0x15280, s26;
	s3 =	sor.u32 s19, s3;
	[tilespmem:s9+$0x0] =	vst v22;
	v12 =	vld.idx.msk [tilespmem:v15+s4+$0x0], $0xffff  }
0x18d: {  	[tilespmem:s3+$0x0] =	vst v7;
	v52 =	vld.idx.msk [tilespmem:v47+s4+$0x0], $0xffff;
	s15 =	sor.u32 s28, s14  }
0x18e: {  	v53 =	vor.u32 $0x380, v0;
	s20 =	sor.u32 s25, s14;
	v4 =	vld.idx.msk [tilespmem:v4+s4+$0x0], $0xffff;
	[tilespmem:s15+$0x0] =	vst v54;
	s16 =	sadd.s32 $0x15280, s29  }
0x18f: {  	[tilespmem:s20+$0x0] =	vst v10;
	v58 =	vld.idx.msk [tilespmem:v55+s4+$0x0], $0xffff;
	s18 =	sor.u32 s30, s16  }
0x190: {  	v59 =	vor.u32 $0x380, v1;
	s12 =	sadd.s32 $0x15300, s21;
	v6 =	vld.idx.msk [tilespmem:v6+s4+$0x0], $0xffff;
	s7 =	sor.u32 s1, s16;
	[tilespmem:s18+$0x0] =	vst v56  }
0x191: {  	s13 =	sor.u32 s24, s12;
	v60 =	vld.idx.msk [tilespmem:v57+s4+$0x0], $0xffff;
	[tilespmem:s7+$0x0] =	vst v12  }
0x192: {  	v61 =	vor.u32 $0x380, v11;
	s12 =	sor.u32 s19, s12;
	s31 =	sadd.s32 $0x15300, s26;
	[tilespmem:s13+$0x0] =	vst v52;
	v62 =	vld.idx.msk [tilespmem:v17+s4+$0x0], $0xffff  }
0x193: {  	[tilespmem:s12+$0x0] =	vst v4;
	v0 =	vld.idx.msk [tilespmem:v53+s4+$0x0], $0xffff;
	s11 =	sor.u32 s28, s31  }
0x194: {  	s15 =	sor.u32 s25, s31;
	s13 =	sadd.s32 $0x15300, s29;
	v3 =	vld.idx.msk [tilespmem:v3+s4+$0x0], $0xffff;
	[tilespmem:s11+$0x0] =	vst v58  }
0x195: {  	s14 =	sor.u32 s30, s13;
	[tilespmem:s15+$0x0] =	vst v6;
	v1 =	vld.idx.msk [tilespmem:v59+s4+$0x0], $0xffff  }
0x196: {  	s21 =	sadd.s32 $0x15380, s21;
	v5 =	vld.idx.msk [tilespmem:v5+s4+$0x0], $0xffff;
	s7 =	sor.u32 s1, s13;
	[tilespmem:s14+$0x0] =	vst v60  }
0x197: {  	s24 =	sor.u32 s24, s21;
	v63 =	vld.idx.msk [tilespmem:v61+s4+$0x0], $0xffff;
	[tilespmem:s7+$0x0] =	vst v62  }
0x198: {  	s22 =	sadd.s32 $0x1, s22;
	s3 =	sor.u32 s19, s21;
	s16 =	sadd.s32 $0x15380, s26;
	[tilespmem:s24+$0x0] =	vst v0;
	v0 =	vld.idx.msk [tilespmem:v9+s4+$0x0], $0xffff  }
0x199: {  	p0 =	sne.s32 s22, $0x10;
	s20 =	sadd.s32 $0x15380, s29;
	[tilespmem:s3+$0x0] =	vst v3;
	s18 =	sor.u32 s28, s16  }
.Ltmp2:
0x19a: {  	s5 =	sor.u32 s25, s16;
	s24 =	sshll.u32 s23, $0x13;
	[tilespmem:s18+$0x0] =	vst v1;
	(pc) =	sbr.rel @p0 .LBB2_2-.Ltmp2, $4  }
0x19b: {  	s21 =	sor.u32 s30, s20;
	s26 =	sor.u32 s6, s24;
	[tilespmem:s5+$0x0] =	vst v5  }
0x19c: {  	s29 =	sshrl.u32 s26, $0x3;
	s28 =	sor.u32 s1, s20;
	[tilespmem:s21+$0x0] =	vst v63  }
0x19d: {  	s31 =	simm.s32 $0x15000;
	s30 =	sadd.s32 s0, s29;
	s7 =	smov.u32 s0;
	[tilespmem:s28+$0x0] =	vst v0  }
0x19e: {  	[hbm4b:s30+s4] =	stream.linear.scatter [tilespmem:s31], [sflag:$0x4], $0x4000, $0x38;
	[tilespmem:$0x19000] =	vst v63  }
0x19f: {  	s0 =	simm.s32 $0x3  }
0x1a0: {  	_ =	swait.ge [sflag:s0], $0x4000  }
0x1a1: {  	[sflag:s0] =	ssyncset.done $0x0  }
0x1a2: {  	s1 =	simm.s32 $0x4;
	[sflag:s0] =	ssyncadd.s32 $0xFFFFC000  }
0x1a3: {  	_ =	swait.ge [sflag:s1], $0x4000  }
0x1a4: {  	s2 =	rddreg [dreg:$0x16]  }
0x1a5: {  	s31 =	rddreg [dreg:$0x6];
	s2 =	sadd.s32 $0x1, s2  }
0x1a6: {  	p0 =	sne.s32 s2, s31  }
.Ltmp3:
0x1a7: {  	_ = 	snop;
	(pc) =	sbr.rel @p0 .LBB2_1-.Ltmp3, $3  }
0x1a8: {  	_ =	sdelay $0x1  }
0x1a9: {  	[sflag:s1] =	ssyncset.done $0x0  }
0x1aa: {  	[sflag:s1] =	ssyncadd.s32 $0xFFFFC000  }
0x1ab: {  	_ =	sfence.sel $0x180000  }
0x1ac: {  	[bflag:$0x0] =	sbarrier.arrive $0xFFFF  }
0x1ad: {  	_ =	strace $0x90000047  }
0x1ae: {  	s0 =	stileid.u32;
	[bflag:$0x2] =	sbarrier.arrive $0xFFFF  }
0x1af: {  	p0 =	sne.s32 s0, $0x0;
	s0 =	rddreg [dreg:$0x3]  }
0x1b0: {  	s0 =	sadd.s32 @!p0 $0x100000, s0  }
0x1b1: {  	[sflag:s0] =	ssyncadd.tile.s32 @!p0 $0x1;
	_ =	shalt  }
.Lfunc_end2:
_tile_overlayer_lowered:
.L_overlay_start_2:
0x1b2: {  	(tag) =	ssettag $0x2  }
0x1b3: {  	s0 =	rddreg [dreg:$0x0];
	s2 =	stileid.u32  }
0x1b4: {  	s1 =	rddreg [dreg:$0x1];
	p0 =	sne.s32 s2, $0x0  }
0x1b5: {  	s3 =	rddreg [dreg:$0x2];
	[bflag:$0x3] =	sbarrier.arrive $0xFFFF;
	s2 =	simm.s32 @!p0 $0x1C06  }
0x1b6: {  	[timem:s3], [sflag:s2] =	dma.local @!p0 [hbm:s0], s1  }
0x1b7: {  	s0 =	simm.s32 @!p0 $0x6  }
0x1b8: {  	_ =	swait.ge @!p0 [sflag:s0], s1  }
0x1b9: {  	s1 =	ssub.s32 @!p0 $0x0, s1;
	[sflag:s0] =	ssyncset.done @!p0 $0x0  }
0x1ba: {  	[sflag:s0] =	ssyncadd.s32 @!p0 s1  }
0x1bb: {  	[bflag:$0x3] =	sbarrier.arrive $0xFFFF  }
0x1bc: {  	_ =	shalt  }

</sc_bundles>
